<compile_context>
chip_gen: v7x
topology: tpu7x:2x2x1
jax: 0.10.2.dev20260603
libtpu: 0.0.44.dev20260713+nightly
codegen_flags: <defaults>
</compile_context>

<pallas_src>
import functools

import jax
import jax.numpy as jnp
from jax import lax
from jax.experimental import pallas as pl
from jax.experimental.pallas import tpu as pltpu
from jax.experimental.pallas import tpu_sc as plsc

_NC, _NS, _L = 2, 16, 16
_NW = _NC * _NS
_K = 1024
_B, _C, _P = 4, 96, 384 * 384
_CB = _B * _C // _NW
_NCB = _C // _CB
_S = 2048
_NCHUNK = _P // _S
_NBUF = 3


def _body(img_hbm, spx_hbm, out_hbm, idx_v, val_v, out_v, cnt_v, sem0, sem1,
          sem2, *accs):
    wid = lax.axis_index("s") * _NC + lax.axis_index("c")
    b = wid // _NCB
    c0 = (wid % _NCB) * _CB
    sems = (sem0, sem1, sem2)

    zeros = jnp.zeros((_L,), jnp.float32)
    ones = jnp.ones((_L,), jnp.float32)

    def zero(g, _):
        cnt_v[pl.ds(g * _L, _L)] = zeros
        for c in range(_CB):
            accs[c][pl.ds(g * _L, _L)] = zeros
        return 0

    lax.fori_loop(0, _K // _L, zero, 0)

    def copies(ci, s):
        p0 = ci * _S
        return (
            pltpu.make_async_copy(
                spx_hbm.at[b, pl.ds(p0, _S)], idx_v.at[s], sems[s]),
            pltpu.make_async_copy(
                img_hbm.at[b, pl.ds(c0, _CB), pl.ds(p0, _S)], val_v.at[s],
                sems[s]),
        )

    def issue(ci, s):
        for d in copies(ci, s):
            d.start()

    issue(0, 0)
    issue(1, 1)

    @pl.loop(0, _NCHUNK, step=_NBUF)
    def chunk(g):
        for s in range(_NBUF):
            ci = g + s

            @pl.when(ci + 2 < _NCHUNK)
            def _():
                issue(ci + 2, (s + 2) % _NBUF)

            for d in copies(ci, s):
                d.wait()

            def load(gg):
                idx = idx_v[s, pl.ds(gg * _L, _L)]
                vals = [val_v[s, c, pl.ds(gg * _L, _L)] for c in range(_CB)]
                return (idx, vals)

            def scat(idx, vals):
                plsc.addupdate_scatter(cnt_v, [idx], ones)
                for c in range(_CB):
                    plsc.addupdate_scatter(accs[c], [idx], vals[c])

            @plsc.parallel_loop(0, _S // _L - 1, unroll=4, carry=load(0))
            def group(gg, carry):
                nxt = load(gg + 1)
                scat(*carry)
                return nxt

            scat(*group)

    def norm(g, _):
        cnt = cnt_v[pl.ds(g * _L, _L)]
        r = 1.0 / jnp.maximum(cnt, 1.0)
        for c in range(_CB):
            out_v[c, pl.ds(g * _L, _L)] = accs[c][pl.ds(g * _L, _L)] * r
        return 0

    lax.fori_loop(0, _K // _L, norm, 0)
    pltpu.sync_copy(out_v, out_hbm.at[b, pl.ds(c0, _CB)])


@jax.jit
def kernel(img, spx):
    B, C, H, W = img.shape
    img_r = img.reshape(B, C, H * W)
    spx_r = spx.reshape(B, H * W)
    mesh = plsc.VectorSubcoreMesh(
        core_axis_name="c", subcore_axis_name="s",
        num_cores=_NC, num_subcores=_NS,
    )
    f = pl.kernel(
        _body,
        out_type=jax.ShapeDtypeStruct((_B, _C, _K), jnp.float32),
        mesh=mesh,
        compiler_params=pltpu.CompilerParams(
            use_tc_tiling_on_sc=False, needs_layout_passes=False),
        scratch_types=[
            pltpu.VMEM((_NBUF, _S), jnp.int32),
            pltpu.VMEM((_NBUF, _CB, _S), jnp.float32),
            pltpu.VMEM((_CB, _K), jnp.float32),
            pltpu.VMEM((_K,), jnp.float32),
            pltpu.SemaphoreType.DMA,
            pltpu.SemaphoreType.DMA,
            pltpu.SemaphoreType.DMA,
        ] + [pltpu.VMEM((_K,), jnp.float32) for _ in range(_CB)],
    )
    return f(img_r, spx_r)

# --- scband reference (transcript-rebuilt; emitter-appended) ---
"""Pipeline reference for scband-ave-sup-pix-pool-17179869890 (READ-ONLY COPY).

The authoritative reference and input builder live on the scoring server;
editing this copy changes nothing except your own understanding.
"""

import jax, jax.numpy as jnp
import numpy as np

K = 1024

def setup_inputs(seed: int = 0) -> dict:
    key = jax.random.key(seed)
    k1, k2 = jax.random.split(key)
    img = jax.random.normal(k1, (4, 96, 384, 384), dtype=jnp.float32)
    spx = jax.random.randint(k2, (4, 384, 384), 0, K, dtype=jnp.int32)
    return {"img": img, "spx": spx}

def reference(img, spx):
    # AveSupPixPool: average-pool image features over superpixel segments.
    # img: [B, C, H, W], spx: [B, H, W] int labels in [0, K).
    # Output: [B, C, K] with mean feature per superpixel.
    B, C, H, W = img.shape
    P = H * W
    data = img.reshape(B, C, P).transpose(0, 2, 1).reshape(B * P, C)
    ids = (spx.reshape(B, P) + jnp.arange(B, dtype=spx.dtype)[:, None] * K).reshape(-1)
    sums = jax.ops.segment_sum(data, ids, num_segments=B * K)
    counts = jax.ops.segment_sum(jnp.ones((B * P,), dtype=jnp.float32), ids, num_segments=B * K)
    out = sums / jnp.maximum(counts, 1.0)[:, None]
    return out.reshape(B, K, C).transpose(0, 2, 1)

if __name__ == "__main__":
    import jax
    _d = setup_inputs()
    print(jax.jit(kernel)(*tuple(_d.values())))

</pallas_src>

<mosaic_0001>
#map = affine_map<(d0, d1) -> (0, 0, 0)>
#map1 = affine_map<(d0, d1) -> (0, 0)>
module attributes {stable_mosaic.version = 14 : i64} {
  func.func @_body(%arg0: i32, %arg1: i32, %arg2: memref<4x96x147456xf32, #tpu.memory_space<hbm>>, %arg3: memref<4x147456xi32, #tpu.memory_space<hbm>>, %arg4: memref<4x96x1024xf32, #tpu.memory_space<hbm>>, %arg5: memref<3x2048xi32, #tpu.memory_space<vmem>>, %arg6: memref<3x12x2048xf32, #tpu.memory_space<vmem>>, %arg7: memref<12x1024xf32, #tpu.memory_space<vmem>>, %arg8: memref<1024xf32, #tpu.memory_space<vmem>>, %arg9: memref<!tpu.dma_semaphore, #tpu.memory_space<semaphore_mem>>, %arg10: memref<!tpu.dma_semaphore, #tpu.memory_space<semaphore_mem>>, %arg11: memref<!tpu.dma_semaphore, #tpu.memory_space<semaphore_mem>>, %arg12: memref<1024xf32, #tpu.memory_space<vmem>>, %arg13: memref<1024xf32, #tpu.memory_space<vmem>>, %arg14: memref<1024xf32, #tpu.memory_space<vmem>>, %arg15: memref<1024xf32, #tpu.memory_space<vmem>>, %arg16: memref<1024xf32, #tpu.memory_space<vmem>>, %arg17: memref<1024xf32, #tpu.memory_space<vmem>>, %arg18: memref<1024xf32, #tpu.memory_space<vmem>>, %arg19: memref<1024xf32, #tpu.memory_space<vmem>>, %arg20: memref<1024xf32, #tpu.memory_space<vmem>>, %arg21: memref<1024xf32, #tpu.memory_space<vmem>>, %arg22: memref<1024xf32, #tpu.memory_space<vmem>>, %arg23: memref<1024xf32, #tpu.memory_space<vmem>>) attributes {dimension_semantics = [#tpu.dimension_semantics<core_parallel>, #tpu.dimension_semantics<subcore_parallel>], iteration_bounds = array<i64: 2, 16>, scalar_prefetch = 0 : i64, scratch_operands = 19 : i64, tpu.core_type = #tpu.core_type<sc_vector_subcore>, window_params = [{transform_indices = #map}, {transform_indices = #map1}, {transform_indices = #map}]} {
    %mul3A = arith.constant 2 : i32
    %mul3A_0 = arith.muli %arg1, %mul3A : i32
    %add3A = arith.addi %mul3A_0, %arg0 : i32
    %jit3A = arith.constant 8 : i32
    %div3A = arith.divsi %add3A, %jit3A : i32
    %sign3A = arith.constant 0 : i32
    %sign3A_1 = arith.cmpi sgt, %add3A, %sign3A : i32
    %sign3A_2 = arith.extui %sign3A_1 : i1 to i32
    %sign3A_3 = arith.constant 0 : i32
    %sign3A_4 = arith.cmpi slt, %add3A, %sign3A_3 : i32
    %sign3A_5 = arith.extui %sign3A_4 : i1 to i32
    %sign3A_6 = arith.subi %sign3A_2, %sign3A_5 : i32
    %sign3A_7 = arith.constant 0 : i32
    %sign3A_8 = arith.cmpi sgt, %jit3A, %sign3A_7 : i32
    %sign3A_9 = arith.extui %sign3A_8 : i1 to i32
    %sign3A_10 = arith.constant 0 : i32
    %sign3A_11 = arith.cmpi slt, %jit3A, %sign3A_10 : i32
    %sign3A_12 = arith.extui %sign3A_11 : i1 to i32
    %sign3A_13 = arith.subi %sign3A_9, %sign3A_12 : i32
    %ne3A = arith.cmpi ne, %sign3A_6, %sign3A_13 : i32
    %rem3A = arith.remsi %add3A, %jit3A : i32
    %ne3A_14 = arith.constant 0 : i32
    %ne3A_15 = arith.cmpi ne, %rem3A, %ne3A_14 : i32
    %and3A = arith.andi %ne3A, %ne3A_15 : i1
    %sub3A = arith.constant 1 : i32
    %sub3A_16 = arith.subi %div3A, %sub3A : i32
    %select_n3A = arith.select %and3A, %sub3A_16, %div3A : i32
    %jit3A_17 = arith.constant 8 : i32
    %eq3A = arith.constant 0 : i32
    %eq3A_18 = arith.cmpi eq, %jit3A_17, %eq3A : i32
    %jit3A_19 = arith.constant 1 : i32
    %select_n3A_20 = arith.select %eq3A_18, %jit3A_19, %jit3A_17 : i32
    %rem3A_21 = arith.remsi %add3A, %select_n3A_20 : i32
    %ne3A_22 = arith.constant 0 : i32
    %ne3A_23 = arith.cmpi ne, %rem3A_21, %ne3A_22 : i32
    %lt3A = arith.constant 0 : i32
    %lt3A_24 = arith.cmpi slt, %rem3A_21, %lt3A : i32
    %lt3A_25 = arith.constant 0 : i32
    %lt3A_26 = arith.cmpi slt, %select_n3A_20, %lt3A_25 : i32
    %ne3A_27 = arith.xori %lt3A_24, %lt3A_26 : i1
    %and3A_28 = arith.andi %ne3A_27, %ne3A_23 : i1
    %add3A_29 = arith.addi %rem3A_21, %select_n3A_20 : i32
    %select_n3A_30 = arith.select %and3A_28, %add3A_29, %rem3A_21 : i32
    %mul3A_31 = arith.constant 12 : i32
    %mul3A_32 = arith.muli %select_n3A_30, %mul3A_31 : i32
    %broadcast_in_dim3A = arith.constant 0.000000e+00 : f32
    %broadcast_in_dim3A_33 = vector.broadcast %broadcast_in_dim3A : f32 to vector<16xf32>
    %broadcast_in_dim3A_34 = arith.constant 1.000000e+00 : f32
    %broadcast_in_dim3A_35 = vector.broadcast %broadcast_in_dim3A_34 : f32 to vector<16xf32>
    %scan3A = arith.constant 0 : i32
    %scan3A_36 = arith.constant 0 : i32
    %scan3A_37 = arith.constant 64 : i32
    %scan3A_38 = arith.addi %scan3A_36, %scan3A_37 : i32
    %scan3A_39 = arith.constant 1 : i32
    %scan3A_40 = scf.for %scan3A_109 = %scan3A_36 to %scan3A_38 step %scan3A_39 iter_args(%scan3A_110 = %scan3A) -> (i32)  : i32 {
      %mul3A_111 = arith.constant 16 : i32
      %mul3A_112 = arith.muli %scan3A_109, %mul3A_111 : i32
      %swap3A = arith.index_cast %mul3A_112 : i32 to index
      %swap3A_113 = tpu.vector_load %arg8[%swap3A] {strides = array<i32>} : memref<1024xf32, #tpu.memory_space<vmem>>, vector<16xf32>,
      tpu.vector_store %arg8[%swap3A], %broadcast_in_dim3A_33 {strides = array<i32>} : memref<1024xf32, #tpu.memory_space<vmem>>, vector<16xf32>,
      %mul3A_114 = arith.constant 16 : i32
      %mul3A_115 = arith.muli %scan3A_109, %mul3A_114 : i32
      %swap3A_116 = arith.index_cast %mul3A_115 : i32 to index
      %swap3A_117 = tpu.vector_load %arg12[%swap3A_116] {strides = array<i32>} : memref<1024xf32, #tpu.memory_space<vmem>>, vector<16xf32>,
      tpu.vector_store %arg12[%swap3A_116], %broadcast_in_dim3A_33 {strides = array<i32>} : memref<1024xf32, #tpu.memory_space<vmem>>, vector<16xf32>,
      %mul3A_118 = arith.constant 16 : i32
      %mul3A_119 = arith.muli %scan3A_109, %mul3A_118 : i32
      %swap3A_120 = arith.index_cast %mul3A_119 : i32 to index
      %swap3A_121 = tpu.vector_load %arg13[%swap3A_120] {strides = array<i32>} : memref<1024xf32, #tpu.memory_space<vmem>>, vector<16xf32>,
      tpu.vector_store %arg13[%swap3A_120], %broadcast_in_dim3A_33 {strides = array<i32>} : memref<1024xf32, #tpu.memory_space<vmem>>, vector<16xf32>,
      %mul3A_122 = arith.constant 16 : i32
      %mul3A_123 = arith.muli %scan3A_109, %mul3A_122 : i32
      %swap3A_124 = arith.index_cast %mul3A_123 : i32 to index
      %swap3A_125 = tpu.vector_load %arg14[%swap3A_124] {strides = array<i32>} : memref<1024xf32, #tpu.memory_space<vmem>>, vector<16xf32>,
      tpu.vector_store %arg14[%swap3A_124], %broadcast_in_dim3A_33 {strides = array<i32>} : memref<1024xf32, #tpu.memory_space<vmem>>, vector<16xf32>,
      %mul3A_126 = arith.constant 16 : i32
      %mul3A_127 = arith.muli %scan3A_109, %mul3A_126 : i32
      %swap3A_128 = arith.index_cast %mul3A_127 : i32 to index
      %swap3A_129 = tpu.vector_load %arg15[%swap3A_128] {strides = array<i32>} : memref<1024xf32, #tpu.memory_space<vmem>>, vector<16xf32>,
      tpu.vector_store %arg15[%swap3A_128], %broadcast_in_dim3A_33 {strides = array<i32>} : memref<1024xf32, #tpu.memory_space<vmem>>, vector<16xf32>,
      %mul3A_130 = arith.constant 16 : i32
      %mul3A_131 = arith.muli %scan3A_109, %mul3A_130 : i32
      %swap3A_132 = arith.index_cast %mul3A_131 : i32 to index
      %swap3A_133 = tpu.vector_load %arg16[%swap3A_132] {strides = array<i32>} : memref<1024xf32, #tpu.memory_space<vmem>>, vector<16xf32>,
      tpu.vector_store %arg16[%swap3A_132], %broadcast_in_dim3A_33 {strides = array<i32>} : memref<1024xf32, #tpu.memory_space<vmem>>, vector<16xf32>,
      %mul3A_134 = arith.constant 16 : i32
      %mul3A_135 = arith.muli %scan3A_109, %mul3A_134 : i32
      %swap3A_136 = arith.index_cast %mul3A_135 : i32 to index
      %swap3A_137 = tpu.vector_load %arg17[%swap3A_136] {strides = array<i32>} : memref<1024xf32, #tpu.memory_space<vmem>>, vector<16xf32>,
      tpu.vector_store %arg17[%swap3A_136], %broadcast_in_dim3A_33 {strides = array<i32>} : memref<1024xf32, #tpu.memory_space<vmem>>, vector<16xf32>,
      %mul3A_138 = arith.constant 16 : i32
      %mul3A_139 = arith.muli %scan3A_109, %mul3A_138 : i32
      %swap3A_140 = arith.index_cast %mul3A_139 : i32 to index
      %swap3A_141 = tpu.vector_load %arg18[%swap3A_140] {strides = array<i32>} : memref<1024xf32, #tpu.memory_space<vmem>>, vector<16xf32>,
      tpu.vector_store %arg18[%swap3A_140], %broadcast_in_dim3A_33 {strides = array<i32>} : memref<1024xf32, #tpu.memory_space<vmem>>, vector<16xf32>,
      %mul3A_142 = arith.constant 16 : i32
      %mul3A_143 = arith.muli %scan3A_109, %mul3A_142 : i32
      %swap3A_144 = arith.index_cast %mul3A_143 : i32 to index
      %swap3A_145 = tpu.vector_load %arg19[%swap3A_144] {strides = array<i32>} : memref<1024xf32, #tpu.memory_space<vmem>>, vector<16xf32>,
      tpu.vector_store %arg19[%swap3A_144], %broadcast_in_dim3A_33 {strides = array<i32>} : memref<1024xf32, #tpu.memory_space<vmem>>, vector<16xf32>,
      %mul3A_146 = arith.constant 16 : i32
      %mul3A_147 = arith.muli %scan3A_109, %mul3A_146 : i32
      %swap3A_148 = arith.index_cast %mul3A_147 : i32 to index
      %swap3A_149 = tpu.vector_load %arg20[%swap3A_148] {strides = array<i32>} : memref<1024xf32, #tpu.memory_space<vmem>>, vector<16xf32>,
      tpu.vector_store %arg20[%swap3A_148], %broadcast_in_dim3A_33 {strides = array<i32>} : memref<1024xf32, #tpu.memory_space<vmem>>, vector<16xf32>,
      %mul3A_150 = arith.constant 16 : i32
      %mul3A_151 = arith.muli %scan3A_109, %mul3A_150 : i32
      %swap3A_152 = arith.index_cast %mul3A_151 : i32 to index
      %swap3A_153 = tpu.vector_load %arg21[%swap3A_152] {strides = array<i32>} : memref<1024xf32, #tpu.memory_space<vmem>>, vector<16xf32>,
      tpu.vector_store %arg21[%swap3A_152], %broadcast_in_dim3A_33 {strides = array<i32>} : memref<1024xf32, #tpu.memory_space<vmem>>, vector<16xf32>,
      %mul3A_154 = arith.constant 16 : i32
      %mul3A_155 = arith.muli %scan3A_109, %mul3A_154 : i32
      %swap3A_156 = arith.index_cast %mul3A_155 : i32 to index
      %swap3A_157 = tpu.vector_load %arg22[%swap3A_156] {strides = array<i32>} : memref<1024xf32, #tpu.memory_space<vmem>>, vector<16xf32>,
      tpu.vector_store %arg22[%swap3A_156], %broadcast_in_dim3A_33 {strides = array<i32>} : memref<1024xf32, #tpu.memory_space<vmem>>, vector<16xf32>,
      %mul3A_158 = arith.constant 16 : i32
      %mul3A_159 = arith.muli %scan3A_109, %mul3A_158 : i32
      %swap3A_160 = arith.index_cast %mul3A_159 : i32 to index
      %swap3A_161 = tpu.vector_load %arg23[%swap3A_160] {strides = array<i32>} : memref<1024xf32, #tpu.memory_space<vmem>>, vector<16xf32>,
      tpu.vector_store %arg23[%swap3A_160], %broadcast_in_dim3A_33 {strides = array<i32>} : memref<1024xf32, #tpu.memory_space<vmem>>, vector<16xf32>,
      %scan3A_162 = arith.constant 0 : i32
      scf.yield %scan3A_162 : i32
    }
    %scan3A_41 = arith.constant 64 : i32
    %dma_start3A = arith.constant 0 : i32
    %dma_start3A_42 = arith.constant 0 : i32
    %dma_start3A_43 = tpu.memref_slice %arg5[%dma_start3A, %dma_start3A_42] : memref<3x2048xi32, #tpu.memory_space<vmem>> -> memref<1x2048xi32, #tpu.memory_space<vmem>>
    %dma_start3A_44 = tpu.memref_squeeze %dma_start3A_43 : memref<1x2048xi32, #tpu.memory_space<vmem>> -> memref<2048xi32, #tpu.memory_space<vmem>>
    %dma_start3A_45 = arith.constant 0 : i32
    %dma_start3A_46 = tpu.memref_slice %arg3[%select_n3A, %dma_start3A_45] : memref<4x147456xi32, #tpu.memory_space<hbm>> -> memref<1x2048xi32, #tpu.memory_space<hbm>>
    %dma_start3A_47 = tpu.memref_squeeze %dma_start3A_46 : memref<1x2048xi32, #tpu.memory_space<hbm>> -> memref<2048xi32, #tpu.memory_space<hbm>>
    %dma_start3A_48 = arith.constant 0 : i32
    %dma_start3A_49 = tpu.memref_slice %arg5[%dma_start3A, %dma_start3A_48] : memref<3x2048xi32, #tpu.memory_space<vmem>> -> memref<1x2048xi32, #tpu.memory_space<vmem>>
    %dma_start3A_50 = tpu.memref_squeeze %dma_start3A_49 : memref<1x2048xi32, #tpu.memory_space<vmem>> -> memref<2048xi32, #tpu.memory_space<vmem>>
    %dma_start3A_51 = arith.constant 0 : i32
    %dma_start3A_52 = tpu.memref_slice %arg3[%select_n3A, %dma_start3A_51] : memref<4x147456xi32, #tpu.memory_space<hbm>> -> memref<1x2048xi32, #tpu.memory_space<hbm>>
    %dma_start3A_53 = tpu.memref_squeeze %dma_start3A_52 : memref<1x2048xi32, #tpu.memory_space<hbm>> -> memref<2048xi32, #tpu.memory_space<hbm>>
    tpu.enqueue_dma source(%dma_start3A_53 : memref<2048xi32, #tpu.memory_space<hbm>>) target(%dma_start3A_50 : memref<2048xi32, #tpu.memory_space<vmem>>) target_semaphore(%arg9 : memref<!tpu.dma_semaphore, #tpu.memory_space<semaphore_mem>>)
    %dma_start3A_54 = arith.constant 0 : i32
    %dma_start3A_55 = arith.constant 0 : i32
    %dma_start3A_56 = arith.constant 0 : i32
    %dma_start3A_57 = tpu.memref_slice %arg6[%dma_start3A_54, %dma_start3A_55, %dma_start3A_56] : memref<3x12x2048xf32, #tpu.memory_space<vmem>> -> memref<1x12x2048xf32, #tpu.memory_space<vmem>>
    %dma_start3A_58 = tpu.memref_squeeze %dma_start3A_57 : memref<1x12x2048xf32, #tpu.memory_space<vmem>> -> memref<12x2048xf32, #tpu.memory_space<vmem>>
    %dma_start3A_59 = arith.constant 0 : i32
    %dma_start3A_60 = tpu.memref_slice %arg2[%select_n3A, %mul3A_32, %dma_start3A_59] : memref<4x96x147456xf32, #tpu.memory_space<hbm>> -> memref<1x12x2048xf32, #tpu.memory_space<hbm>>
    %dma_start3A_61 = tpu.memref_squeeze %dma_start3A_60 : memref<1x12x2048xf32, #tpu.memory_space<hbm>> -> memref<12x2048xf32, #tpu.memory_space<hbm>>
    %dma_start3A_62 = arith.constant 0 : i32
    %dma_start3A_63 = arith.constant 0 : i32
    %dma_start3A_64 = tpu.memref_slice %arg6[%dma_start3A_54, %dma_start3A_62, %dma_start3A_63] : memref<3x12x2048xf32, #tpu.memory_space<vmem>> -> memref<1x12x2048xf32, #tpu.memory_space<vmem>>
    %dma_start3A_65 = tpu.memref_squeeze %dma_start3A_64 : memref<1x12x2048xf32, #tpu.memory_space<vmem>> -> memref<12x2048xf32, #tpu.memory_space<vmem>>
    %dma_start3A_66 = arith.constant 0 : i32
    %dma_start3A_67 = tpu.memref_slice %arg2[%select_n3A, %mul3A_32, %dma_start3A_66] : memref<4x96x147456xf32, #tpu.memory_space<hbm>> -> memref<1x12x2048xf32, #tpu.memory_space<hbm>>
    %dma_start3A_68 = tpu.memref_squeeze %dma_start3A_67 : memref<1x12x2048xf32, #tpu.memory_space<hbm>> -> memref<12x2048xf32, #tpu.memory_space<hbm>>
    tpu.enqueue_dma source(%dma_start3A_68 : memref<12x2048xf32, #tpu.memory_space<hbm>>) target(%dma_start3A_65 : memref<12x2048xf32, #tpu.memory_space<vmem>>) target_semaphore(%arg9 : memref<!tpu.dma_semaphore, #tpu.memory_space<semaphore_mem>>)
    %dma_start3A_69 = arith.constant 1 : i32
    %dma_start3A_70 = arith.constant 0 : i32
    %dma_start3A_71 = tpu.memref_slice %arg5[%dma_start3A_69, %dma_start3A_70] : memref<3x2048xi32, #tpu.memory_space<vmem>> -> memref<1x2048xi32, #tpu.memory_space<vmem>>
    %dma_start3A_72 = tpu.memref_squeeze %dma_start3A_71 : memref<1x2048xi32, #tpu.memory_space<vmem>> -> memref<2048xi32, #tpu.memory_space<vmem>>
    %dma_start3A_73 = arith.constant 2048 : i32
    %dma_start3A_74 = tpu.memref_slice %arg3[%select_n3A, %dma_start3A_73] : memref<4x147456xi32, #tpu.memory_space<hbm>> -> memref<1x2048xi32, #tpu.memory_space<hbm>>
    %dma_start3A_75 = tpu.memref_squeeze %dma_start3A_74 : memref<1x2048xi32, #tpu.memory_space<hbm>> -> memref<2048xi32, #tpu.memory_space<hbm>>
    %dma_start3A_76 = arith.constant 0 : i32
    %dma_start3A_77 = tpu.memref_slice %arg5[%dma_start3A_69, %dma_start3A_76] : memref<3x2048xi32, #tpu.memory_space<vmem>> -> memref<1x2048xi32, #tpu.memory_space<vmem>>
    %dma_start3A_78 = tpu.memref_squeeze %dma_start3A_77 : memref<1x2048xi32, #tpu.memory_space<vmem>> -> memref<2048xi32, #tpu.memory_space<vmem>>
    %dma_start3A_79 = arith.constant 2048 : i32
    %dma_start3A_80 = tpu.memref_slice %arg3[%select_n3A, %dma_start3A_79] : memref<4x147456xi32, #tpu.memory_space<hbm>> -> memref<1x2048xi32, #tpu.memory_space<hbm>>
    %dma_start3A_81 = tpu.memref_squeeze %dma_start3A_80 : memref<1x2048xi32, #tpu.memory_space<hbm>> -> memref<2048xi32, #tpu.memory_space<hbm>>
    tpu.enqueue_dma source(%dma_start3A_81 : memref<2048xi32, #tpu.memory_space<hbm>>) target(%dma_start3A_78 : memref<2048xi32, #tpu.memory_space<vmem>>) target_semaphore(%arg10 : memref<!tpu.dma_semaphore, #tpu.memory_space<semaphore_mem>>)
    %dma_start3A_82 = arith.constant 1 : i32
    %dma_start3A_83 = arith.constant 0 : i32
    %dma_start3A_84 = arith.constant 0 : i32
    %dma_start3A_85 = tpu.memref_slice %arg6[%dma_start3A_82, %dma_start3A_83, %dma_start3A_84] : memref<3x12x2048xf32, #tpu.memory_space<vmem>> -> memref<1x12x2048xf32, #tpu.memory_space<vmem>>
    %dma_start3A_86 = tpu.memref_squeeze %dma_start3A_85 : memref<1x12x2048xf32, #tpu.memory_space<vmem>> -> memref<12x2048xf32, #tpu.memory_space<vmem>>
    %dma_start3A_87 = arith.constant 2048 : i32
    %dma_start3A_88 = tpu.memref_slice %arg2[%select_n3A, %mul3A_32, %dma_start3A_87] : memref<4x96x147456xf32, #tpu.memory_space<hbm>> -> memref<1x12x2048xf32, #tpu.memory_space<hbm>>
    %dma_start3A_89 = tpu.memref_squeeze %dma_start3A_88 : memref<1x12x2048xf32, #tpu.memory_space<hbm>> -> memref<12x2048xf32, #tpu.memory_space<hbm>>
    %dma_start3A_90 = arith.constant 0 : i32
    %dma_start3A_91 = arith.constant 0 : i32
    %dma_start3A_92 = tpu.memref_slice %arg6[%dma_start3A_82, %dma_start3A_90, %dma_start3A_91] : memref<3x12x2048xf32, #tpu.memory_space<vmem>> -> memref<1x12x2048xf32, #tpu.memory_space<vmem>>
    %dma_start3A_93 = tpu.memref_squeeze %dma_start3A_92 : memref<1x12x2048xf32, #tpu.memory_space<vmem>> -> memref<12x2048xf32, #tpu.memory_space<vmem>>
    %dma_start3A_94 = arith.constant 2048 : i32
    %dma_start3A_95 = tpu.memref_slice %arg2[%select_n3A, %mul3A_32, %dma_start3A_94] : memref<4x96x147456xf32, #tpu.memory_space<hbm>> -> memref<1x12x2048xf32, #tpu.memory_space<hbm>>
    %dma_start3A_96 = tpu.memref_squeeze %dma_start3A_95 : memref<1x12x2048xf32, #tpu.memory_space<hbm>> -> memref<12x2048xf32, #tpu.memory_space<hbm>>
    tpu.enqueue_dma source(%dma_start3A_96 : memref<12x2048xf32, #tpu.memory_space<hbm>>) target(%dma_start3A_93 : memref<12x2048xf32, #tpu.memory_space<vmem>>) target_semaphore(%arg10 : memref<!tpu.dma_semaphore, #tpu.memory_space<semaphore_mem>>)
    %scan3A_97 = arith.constant 0 : i32
    %scan3A_98 = arith.constant 24 : i32
    %scan3A_99 = arith.addi %scan3A_97, %scan3A_98 : i32
    %scan3A_100 = arith.constant 1 : i32
    scf.for %scan3A_109 = %scan3A_97 to %scan3A_99 step %scan3A_100  : i32 {
      %mul3A_110 = arith.constant 3 : i32
      %mul3A_111 = arith.muli %scan3A_109, %mul3A_110 : i32
      %add3A_112 = arith.constant 0 : i32
      %add3A_113 = arith.addi %add3A_112, %mul3A_111 : i32
      %add3A_114 = arith.constant 0 : i32
      %add3A_115 = arith.addi %add3A_113, %add3A_114 : i32
      %add3A_116 = arith.constant 2 : i32
      %add3A_117 = arith.addi %add3A_115, %add3A_116 : i32
      %lt3A_118 = arith.constant 72 : i32
      %lt3A_119 = arith.cmpi slt, %add3A_117, %lt3A_118 : i32
      %convert_element_type3A = arith.extui %lt3A_119 : i1 to i32
      %cond3A = arith.constant 0 : i32
      %cond3A_120 = arith.cmpi ne, %convert_element_type3A, %cond3A : i32
      scf.if %cond3A_120 {
        %add3A_454 = arith.constant 2 : i32
        %add3A_455 = arith.addi %add3A_115, %add3A_454 : i32
        %mul3A_456 = arith.constant 2048 : i32
        %mul3A_457 = arith.muli %add3A_455, %mul3A_456 : i32
        %dma_start3A_458 = arith.constant 2 : i32
        %dma_start3A_459 = arith.constant 0 : i32
        %dma_start3A_460 = tpu.memref_slice %arg5[%dma_start3A_458, %dma_start3A_459] : memref<3x2048xi32, #tpu.memory_space<vmem>> -> memref<1x2048xi32, #tpu.memory_space<vmem>>
        %dma_start3A_461 = tpu.memref_squeeze %dma_start3A_460 : memref<1x2048xi32, #tpu.memory_space<vmem>> -> memref<2048xi32, #tpu.memory_space<vmem>>
        %dma_start3A_462 = tpu.memref_slice %arg3[%select_n3A, %mul3A_457] : memref<4x147456xi32, #tpu.memory_space<hbm>> -> memref<1x2048xi32, #tpu.memory_space<hbm>>
        %dma_start3A_463 = tpu.memref_squeeze %dma_start3A_462 : memref<1x2048xi32, #tpu.memory_space<hbm>> -> memref<2048xi32, #tpu.memory_space<hbm>>
        %dma_start3A_464 = arith.constant 0 : i32
        %dma_start3A_465 = tpu.memref_slice %arg5[%dma_start3A_458, %dma_start3A_464] : memref<3x2048xi32, #tpu.memory_space<vmem>> -> memref<1x2048xi32, #tpu.memory_space<vmem>>
        %dma_start3A_466 = tpu.memref_squeeze %dma_start3A_465 : memref<1x2048xi32, #tpu.memory_space<vmem>> -> memref<2048xi32, #tpu.memory_space<vmem>>
        %dma_start3A_467 = tpu.memref_slice %arg3[%select_n3A, %mul3A_457] : memref<4x147456xi32, #tpu.memory_space<hbm>> -> memref<1x2048xi32, #tpu.memory_space<hbm>>
        %dma_start3A_468 = tpu.memref_squeeze %dma_start3A_467 : memref<1x2048xi32, #tpu.memory_space<hbm>> -> memref<2048xi32, #tpu.memory_space<hbm>>
        tpu.enqueue_dma source(%dma_start3A_468 : memref<2048xi32, #tpu.memory_space<hbm>>) target(%dma_start3A_466 : memref<2048xi32, #tpu.memory_space<vmem>>) target_semaphore(%arg11 : memref<!tpu.dma_semaphore, #tpu.memory_space<semaphore_mem>>)
        %dma_start3A_469 = arith.constant 2 : i32
        %dma_start3A_470 = arith.constant 0 : i32
        %dma_start3A_471 = arith.constant 0 : i32
        %dma_start3A_472 = tpu.memref_slice %arg6[%dma_start3A_469, %dma_start3A_470, %dma_start3A_471] : memref<3x12x2048xf32, #tpu.memory_space<vmem>> -> memref<1x12x2048xf32, #tpu.memory_space<vmem>>
        %dma_start3A_473 = tpu.memref_squeeze %dma_start3A_472 : memref<1x12x2048xf32, #tpu.memory_space<vmem>> -> memref<12x2048xf32, #tpu.memory_space<vmem>>
        %dma_start3A_474 = tpu.memref_slice %arg2[%select_n3A, %mul3A_32, %mul3A_457] : memref<4x96x147456xf32, #tpu.memory_space<hbm>> -> memref<1x12x2048xf32, #tpu.memory_space<hbm>>
        %dma_start3A_475 = tpu.memref_squeeze %dma_start3A_474 : memref<1x12x2048xf32, #tpu.memory_space<hbm>> -> memref<12x2048xf32, #tpu.memory_space<hbm>>
        %dma_start3A_476 = arith.constant 0 : i32
        %dma_start3A_477 = arith.constant 0 : i32
        %dma_start3A_478 = tpu.memref_slice %arg6[%dma_start3A_469, %dma_start3A_476, %dma_start3A_477] : memref<3x12x2048xf32, #tpu.memory_space<vmem>> -> memref<1x12x2048xf32, #tpu.memory_space<vmem>>
        %dma_start3A_479 = tpu.memref_squeeze %dma_start3A_478 : memref<1x12x2048xf32, #tpu.memory_space<vmem>> -> memref<12x2048xf32, #tpu.memory_space<vmem>>
        %dma_start3A_480 = tpu.memref_slice %arg2[%select_n3A, %mul3A_32, %mul3A_457] : memref<4x96x147456xf32, #tpu.memory_space<hbm>> -> memref<1x12x2048xf32, #tpu.memory_space<hbm>>
        %dma_start3A_481 = tpu.memref_squeeze %dma_start3A_480 : memref<1x12x2048xf32, #tpu.memory_space<hbm>> -> memref<12x2048xf32, #tpu.memory_space<hbm>>
        tpu.enqueue_dma source(%dma_start3A_481 : memref<12x2048xf32, #tpu.memory_space<hbm>>) target(%dma_start3A_479 : memref<12x2048xf32, #tpu.memory_space<vmem>>) target_semaphore(%arg11 : memref<!tpu.dma_semaphore, #tpu.memory_space<semaphore_mem>>)
      } else {
      }
      %mul3A_121 = arith.constant 2048 : i32
      %mul3A_122 = arith.muli %add3A_115, %mul3A_121 : i32
      %dma_wait3A = arith.constant 0 : i32
      %dma_wait3A_123 = arith.constant 0 : i32
      %dma_wait3A_124 = tpu.memref_slice %arg5[%dma_wait3A, %dma_wait3A_123] : memref<3x2048xi32, #tpu.memory_space<vmem>> -> memref<1x2048xi32, #tpu.memory_space<vmem>>
      %dma_wait3A_125 = tpu.memref_squeeze %dma_wait3A_124 : memref<1x2048xi32, #tpu.memory_space<vmem>> -> memref<2048xi32, #tpu.memory_space<vmem>>
      %dma_wait3A_126 = tpu.memref_slice %arg3[%select_n3A, %mul3A_122] : memref<4x147456xi32, #tpu.memory_space<hbm>> -> memref<1x2048xi32, #tpu.memory_space<hbm>>
      %dma_wait3A_127 = tpu.memref_squeeze %dma_wait3A_126 : memref<1x2048xi32, #tpu.memory_space<hbm>> -> memref<2048xi32, #tpu.memory_space<hbm>>
      %dma_wait3A_128 = arith.constant 0 : i32
      %dma_wait3A_129 = tpu.memref_slice %arg5[%dma_wait3A, %dma_wait3A_128] : memref<3x2048xi32, #tpu.memory_space<vmem>> -> memref<1x2048xi32, #tpu.memory_space<vmem>>
      %dma_wait3A_130 = tpu.memref_squeeze %dma_wait3A_129 : memref<1x2048xi32, #tpu.memory_space<vmem>> -> memref<2048xi32, #tpu.memory_space<vmem>>
      %dma_wait3A_131 = tpu.memref_slice %arg3[%select_n3A, %mul3A_122] : memref<4x147456xi32, #tpu.memory_space<hbm>> -> memref<1x2048xi32, #tpu.memory_space<hbm>>
      %dma_wait3A_132 = tpu.memref_squeeze %dma_wait3A_131 : memref<1x2048xi32, #tpu.memory_space<hbm>> -> memref<2048xi32, #tpu.memory_space<hbm>>
      tpu.wait_dma2 semaphore(%arg9 : memref<!tpu.dma_semaphore, #tpu.memory_space<semaphore_mem>>) src(%dma_wait3A_132 : memref<2048xi32, #tpu.memory_space<hbm>>) dst(%dma_wait3A_130 : memref<2048xi32, #tpu.memory_space<vmem>>)
      %dma_wait3A_133 = arith.constant 0 : i32
      %dma_wait3A_134 = arith.constant 0 : i32
      %dma_wait3A_135 = arith.constant 0 : i32
      %dma_wait3A_136 = tpu.memref_slice %arg6[%dma_wait3A_133, %dma_wait3A_134, %dma_wait3A_135] : memref<3x12x2048xf32, #tpu.memory_space<vmem>> -> memref<1x12x2048xf32, #tpu.memory_space<vmem>>
      %dma_wait3A_137 = tpu.memref_squeeze %dma_wait3A_136 : memref<1x12x2048xf32, #tpu.memory_space<vmem>> -> memref<12x2048xf32, #tpu.memory_space<vmem>>
      %dma_wait3A_138 = tpu.memref_slice %arg2[%select_n3A, %mul3A_32, %mul3A_122] : memref<4x96x147456xf32, #tpu.memory_space<hbm>> -> memref<1x12x2048xf32, #tpu.memory_space<hbm>>
      %dma_wait3A_139 = tpu.memref_squeeze %dma_wait3A_138 : memref<1x12x2048xf32, #tpu.memory_space<hbm>> -> memref<12x2048xf32, #tpu.memory_space<hbm>>
      %dma_wait3A_140 = arith.constant 0 : i32
      %dma_wait3A_141 = arith.constant 0 : i32
      %dma_wait3A_142 = tpu.memref_slice %arg6[%dma_wait3A_133, %dma_wait3A_140, %dma_wait3A_141] : memref<3x12x2048xf32, #tpu.memory_space<vmem>> -> memref<1x12x2048xf32, #tpu.memory_space<vmem>>
      %dma_wait3A_143 = tpu.memref_squeeze %dma_wait3A_142 : memref<1x12x2048xf32, #tpu.memory_space<vmem>> -> memref<12x2048xf32, #tpu.memory_space<vmem>>
      %dma_wait3A_144 = tpu.memref_slice %arg2[%select_n3A, %mul3A_32, %mul3A_122] : memref<4x96x147456xf32, #tpu.memory_space<hbm>> -> memref<1x12x2048xf32, #tpu.memory_space<hbm>>
      %dma_wait3A_145 = tpu.memref_squeeze %dma_wait3A_144 : memref<1x12x2048xf32, #tpu.memory_space<hbm>> -> memref<12x2048xf32, #tpu.memory_space<hbm>>
      tpu.wait_dma2 semaphore(%arg9 : memref<!tpu.dma_semaphore, #tpu.memory_space<semaphore_mem>>) src(%dma_wait3A_145 : memref<12x2048xf32, #tpu.memory_space<hbm>>) dst(%dma_wait3A_143 : memref<12x2048xf32, #tpu.memory_space<vmem>>)
      %get3A = arith.constant 0 : i32
      %get3A_146 = arith.index_cast %get3A : i32 to index
      %get3A_147 = arith.constant 0 : index
      %get3A_148 = tpu.vector_load %arg5[%get3A_146, %get3A_147] {strides = array<i32>} : memref<3x2048xi32, #tpu.memory_space<vmem>>, vector<16xi32>,
      %get3A_149 = arith.constant 0 : i32
      %get3A_150 = arith.constant 0 : i32
      %get3A_151 = arith.index_cast %get3A_149 : i32 to index
      %get3A_152 = arith.index_cast %get3A_150 : i32 to index
      %get3A_153 = arith.constant 0 : index
      %get3A_154 = tpu.vector_load %arg6[%get3A_151, %get3A_152, %get3A_153] {strides = array<i32>} : memref<3x12x2048xf32, #tpu.memory_space<vmem>>, vector<16xf32>,
      %get3A_155 = arith.constant 0 : i32
      %get3A_156 = arith.constant 1 : i32
      %get3A_157 = arith.index_cast %get3A_155 : i32 to index
      %get3A_158 = arith.index_cast %get3A_156 : i32 to index
      %get3A_159 = arith.constant 0 : index
      %get3A_160 = tpu.vector_load %arg6[%get3A_157, %get3A_158, %get3A_159] {strides = array<i32>} : memref<3x12x2048xf32, #tpu.memory_space<vmem>>, vector<16xf32>,
      %get3A_161 = arith.constant 0 : i32
      %get3A_162 = arith.constant 2 : i32
      %get3A_163 = arith.index_cast %get3A_161 : i32 to index
      %get3A_164 = arith.index_cast %get3A_162 : i32 to index
      %get3A_165 = arith.constant 0 : index
      %get3A_166 = tpu.vector_load %arg6[%get3A_163, %get3A_164, %get3A_165] {strides = array<i32>} : memref<3x12x2048xf32, #tpu.memory_space<vmem>>, vector<16xf32>,
      %get3A_167 = arith.constant 0 : i32
      %get3A_168 = arith.constant 3 : i32
      %get3A_169 = arith.index_cast %get3A_167 : i32 to index
      %get3A_170 = arith.index_cast %get3A_168 : i32 to index
      %get3A_171 = arith.constant 0 : index
      %get3A_172 = tpu.vector_load %arg6[%get3A_169, %get3A_170, %get3A_171] {strides = array<i32>} : memref<3x12x2048xf32, #tpu.memory_space<vmem>>, vector<16xf32>,
      %get3A_173 = arith.constant 0 : i32
      %get3A_174 = arith.constant 4 : i32
      %get3A_175 = arith.index_cast %get3A_173 : i32 to index
      %get3A_176 = arith.index_cast %get3A_174 : i32 to index
      %get3A_177 = arith.constant 0 : index
      %get3A_178 = tpu.vector_load %arg6[%get3A_175, %get3A_176, %get3A_177] {strides = array<i32>} : memref<3x12x2048xf32, #tpu.memory_space<vmem>>, vector<16xf32>,
      %get3A_179 = arith.constant 0 : i32
      %get3A_180 = arith.constant 5 : i32
      %get3A_181 = arith.index_cast %get3A_179 : i32 to index
      %get3A_182 = arith.index_cast %get3A_180 : i32 to index
      %get3A_183 = arith.constant 0 : index
      %get3A_184 = tpu.vector_load %arg6[%get3A_181, %get3A_182, %get3A_183] {strides = array<i32>} : memref<3x12x2048xf32, #tpu.memory_space<vmem>>, vector<16xf32>,
      %get3A_185 = arith.constant 0 : i32
      %get3A_186 = arith.constant 6 : i32
      %get3A_187 = arith.index_cast %get3A_185 : i32 to index
      %get3A_188 = arith.index_cast %get3A_186 : i32 to index
      %get3A_189 = arith.constant 0 : index
      %get3A_190 = tpu.vector_load %arg6[%get3A_187, %get3A_188, %get3A_189] {strides = array<i32>} : memref<3x12x2048xf32, #tpu.memory_space<vmem>>, vector<16xf32>,
      %get3A_191 = arith.constant 0 : i32
      %get3A_192 = arith.constant 7 : i32
      %get3A_193 = arith.index_cast %get3A_191 : i32 to index
      %get3A_194 = arith.index_cast %get3A_192 : i32 to index
      %get3A_195 = arith.constant 0 : index
      %get3A_196 = tpu.vector_load %arg6[%get3A_193, %get3A_194, %get3A_195] {strides = array<i32>} : memref<3x12x2048xf32, #tpu.memory_space<vmem>>, vector<16xf32>,
      %get3A_197 = arith.constant 0 : i32
      %get3A_198 = arith.constant 8 : i32
      %get3A_199 = arith.index_cast %get3A_197 : i32 to index
      %get3A_200 = arith.index_cast %get3A_198 : i32 to index
      %get3A_201 = arith.constant 0 : index
      %get3A_202 = tpu.vector_load %arg6[%get3A_199, %get3A_200, %get3A_201] {strides = array<i32>} : memref<3x12x2048xf32, #tpu.memory_space<vmem>>, vector<16xf32>,
      %get3A_203 = arith.constant 0 : i32
      %get3A_204 = arith.constant 9 : i32
      %get3A_205 = arith.index_cast %get3A_203 : i32 to index
      %get3A_206 = arith.index_cast %get3A_204 : i32 to index
      %get3A_207 = arith.constant 0 : index
      %get3A_208 = tpu.vector_load %arg6[%get3A_205, %get3A_206, %get3A_207] {strides = array<i32>} : memref<3x12x2048xf32, #tpu.memory_space<vmem>>, vector<16xf32>,
      %get3A_209 = arith.constant 0 : i32
      %get3A_210 = arith.constant 10 : i32
      %get3A_211 = arith.index_cast %get3A_209 : i32 to index
      %get3A_212 = arith.index_cast %get3A_210 : i32 to index
      %get3A_213 = arith.constant 0 : index
      %get3A_214 = tpu.vector_load %arg6[%get3A_211, %get3A_212, %get3A_213] {strides = array<i32>} : memref<3x12x2048xf32, #tpu.memory_space<vmem>>, vector<16xf32>,
      %get3A_215 = arith.constant 0 : i32
      %get3A_216 = arith.constant 11 : i32
      %get3A_217 = arith.index_cast %get3A_215 : i32 to index
      %get3A_218 = arith.index_cast %get3A_216 : i32 to index
      %get3A_219 = arith.constant 0 : index
      %get3A_220 = tpu.vector_load %arg6[%get3A_217, %get3A_218, %get3A_219] {strides = array<i32>} : memref<3x12x2048xf32, #tpu.memory_space<vmem>>, vector<16xf32>,
      %parallel_loop3A = arith.constant 0 : i32
      %parallel_loop3A_221 = arith.constant 127 : i32
      %parallel_loop3A_222 = arith.constant 1 : i32
      %parallel_loop3A_223:13 = scf.for %parallel_loop3A_454 = %parallel_loop3A to %parallel_loop3A_221 step %parallel_loop3A_222 iter_args(%parallel_loop3A_455 = %get3A_148, %parallel_loop3A_456 = %get3A_154, %parallel_loop3A_457 = %get3A_160, %parallel_loop3A_458 = %get3A_166, %parallel_loop3A_459 = %get3A_172, %parallel_loop3A_460 = %get3A_178, %parallel_loop3A_461 = %get3A_184, %parallel_loop3A_462 = %get3A_190, %parallel_loop3A_463 = %get3A_196, %parallel_loop3A_464 = %get3A_202, %parallel_loop3A_465 = %get3A_208, %parallel_loop3A_466 = %get3A_214, %parallel_loop3A_467 = %get3A_220) -> (vector<16xi32>, vector<16xf32>, vector<16xf32>, vector<16xf32>, vector<16xf32>, vector<16xf32>, vector<16xf32>, vector<16xf32>, vector<16xf32>, vector<16xf32>, vector<16xf32>, vector<16xf32>, vector<16xf32>)  : i32 {
        %parallel_loop3A_468 = arith.constant 1 : i32
        %parallel_loop3A_469 = arith.addi %parallel_loop3A_454, %parallel_loop3A_468 : i32
        %parallel_loop3A_470 = arith.constant 16 : i32
        %parallel_loop3A_471 = arith.muli %parallel_loop3A_469, %parallel_loop3A_470 : i32
        %parallel_loop3A_472 = arith.constant 0 : i32
        %parallel_loop3A_473 = arith.index_cast %parallel_loop3A_472 : i32 to index
        %parallel_loop3A_474 = arith.index_cast %parallel_loop3A_471 : i32 to index
        %parallel_loop3A_475 = tpu.vector_load %arg5[%parallel_loop3A_473, %parallel_loop3A_474] {strides = array<i32>} : memref<3x2048xi32, #tpu.memory_space<vmem>>, vector<16xi32>,
        %parallel_loop3A_476 = arith.constant 16 : i32
        %parallel_loop3A_477 = arith.muli %parallel_loop3A_469, %parallel_loop3A_476 : i32
        %parallel_loop3A_478 = arith.constant 0 : i32
        %parallel_loop3A_479 = arith.constant 0 : i32
        %parallel_loop3A_480 = arith.index_cast %parallel_loop3A_478 : i32 to index
        %parallel_loop3A_481 = arith.index_cast %parallel_loop3A_479 : i32 to index
        %parallel_loop3A_482 = arith.index_cast %parallel_loop3A_477 : i32 to index
        %parallel_loop3A_483 = tpu.vector_load %arg6[%parallel_loop3A_480, %parallel_loop3A_481, %parallel_loop3A_482] {strides = array<i32>} : memref<3x12x2048xf32, #tpu.memory_space<vmem>>, vector<16xf32>,
        %parallel_loop3A_484 = arith.constant 16 : i32
        %parallel_loop3A_485 = arith.muli %parallel_loop3A_469, %parallel_loop3A_484 : i32
        %parallel_loop3A_486 = arith.constant 0 : i32
        %parallel_loop3A_487 = arith.constant 1 : i32
        %parallel_loop3A_488 = arith.index_cast %parallel_loop3A_486 : i32 to index
        %parallel_loop3A_489 = arith.index_cast %parallel_loop3A_487 : i32 to index
        %parallel_loop3A_490 = arith.index_cast %parallel_loop3A_485 : i32 to index
        %parallel_loop3A_491 = tpu.vector_load %arg6[%parallel_loop3A_488, %parallel_loop3A_489, %parallel_loop3A_490] {strides = array<i32>} : memref<3x12x2048xf32, #tpu.memory_space<vmem>>, vector<16xf32>,
        %parallel_loop3A_492 = arith.constant 16 : i32
        %parallel_loop3A_493 = arith.muli %parallel_loop3A_469, %parallel_loop3A_492 : i32
        %parallel_loop3A_494 = arith.constant 0 : i32
        %parallel_loop3A_495 = arith.constant 2 : i32
        %parallel_loop3A_496 = arith.index_cast %parallel_loop3A_494 : i32 to index
        %parallel_loop3A_497 = arith.index_cast %parallel_loop3A_495 : i32 to index
        %parallel_loop3A_498 = arith.index_cast %parallel_loop3A_493 : i32 to index
        %parallel_loop3A_499 = tpu.vector_load %arg6[%parallel_loop3A_496, %parallel_loop3A_497, %parallel_loop3A_498] {strides = array<i32>} : memref<3x12x2048xf32, #tpu.memory_space<vmem>>, vector<16xf32>,
        %parallel_loop3A_500 = arith.constant 16 : i32
        %parallel_loop3A_501 = arith.muli %parallel_loop3A_469, %parallel_loop3A_500 : i32
        %parallel_loop3A_502 = arith.constant 0 : i32
        %parallel_loop3A_503 = arith.constant 3 : i32
        %parallel_loop3A_504 = arith.index_cast %parallel_loop3A_502 : i32 to index
        %parallel_loop3A_505 = arith.index_cast %parallel_loop3A_503 : i32 to index
        %parallel_loop3A_506 = arith.index_cast %parallel_loop3A_501 : i32 to index
        %parallel_loop3A_507 = tpu.vector_load %arg6[%parallel_loop3A_504, %parallel_loop3A_505, %parallel_loop3A_506] {strides = array<i32>} : memref<3x12x2048xf32, #tpu.memory_space<vmem>>, vector<16xf32>,
        %parallel_loop3A_508 = arith.constant 16 : i32
        %parallel_loop3A_509 = arith.muli %parallel_loop3A_469, %parallel_loop3A_508 : i32
        %parallel_loop3A_510 = arith.constant 0 : i32
        %parallel_loop3A_511 = arith.constant 4 : i32
        %parallel_loop3A_512 = arith.index_cast %parallel_loop3A_510 : i32 to index
        %parallel_loop3A_513 = arith.index_cast %parallel_loop3A_511 : i32 to index
        %parallel_loop3A_514 = arith.index_cast %parallel_loop3A_509 : i32 to index
        %parallel_loop3A_515 = tpu.vector_load %arg6[%parallel_loop3A_512, %parallel_loop3A_513, %parallel_loop3A_514] {strides = array<i32>} : memref<3x12x2048xf32, #tpu.memory_space<vmem>>, vector<16xf32>,
        %parallel_loop3A_516 = arith.constant 16 : i32
        %parallel_loop3A_517 = arith.muli %parallel_loop3A_469, %parallel_loop3A_516 : i32
        %parallel_loop3A_518 = arith.constant 0 : i32
        %parallel_loop3A_519 = arith.constant 5 : i32
        %parallel_loop3A_520 = arith.index_cast %parallel_loop3A_518 : i32 to index
        %parallel_loop3A_521 = arith.index_cast %parallel_loop3A_519 : i32 to index
        %parallel_loop3A_522 = arith.index_cast %parallel_loop3A_517 : i32 to index
        %parallel_loop3A_523 = tpu.vector_load %arg6[%parallel_loop3A_520, %parallel_loop3A_521, %parallel_loop3A_522] {strides = array<i32>} : memref<3x12x2048xf32, #tpu.memory_space<vmem>>, vector<16xf32>,
        %parallel_loop3A_524 = arith.constant 16 : i32
        %parallel_loop3A_525 = arith.muli %parallel_loop3A_469, %parallel_loop3A_524 : i32
        %parallel_loop3A_526 = arith.constant 0 : i32
        %parallel_loop3A_527 = arith.constant 6 : i32
        %parallel_loop3A_528 = arith.index_cast %parallel_loop3A_526 : i32 to index
        %parallel_loop3A_529 = arith.index_cast %parallel_loop3A_527 : i32 to index
        %parallel_loop3A_530 = arith.index_cast %parallel_loop3A_525 : i32 to index
        %parallel_loop3A_531 = tpu.vector_load %arg6[%parallel_loop3A_528, %parallel_loop3A_529, %parallel_loop3A_530] {strides = array<i32>} : memref<3x12x2048xf32, #tpu.memory_space<vmem>>, vector<16xf32>,
        %parallel_loop3A_532 = arith.constant 16 : i32
        %parallel_loop3A_533 = arith.muli %parallel_loop3A_469, %parallel_loop3A_532 : i32
        %parallel_loop3A_534 = arith.constant 0 : i32
        %parallel_loop3A_535 = arith.constant 7 : i32
        %parallel_loop3A_536 = arith.index_cast %parallel_loop3A_534 : i32 to index
        %parallel_loop3A_537 = arith.index_cast %parallel_loop3A_535 : i32 to index
        %parallel_loop3A_538 = arith.index_cast %parallel_loop3A_533 : i32 to index
        %parallel_loop3A_539 = tpu.vector_load %arg6[%parallel_loop3A_536, %parallel_loop3A_537, %parallel_loop3A_538] {strides = array<i32>} : memref<3x12x2048xf32, #tpu.memory_space<vmem>>, vector<16xf32>,
        %parallel_loop3A_540 = arith.constant 16 : i32
        %parallel_loop3A_541 = arith.muli %parallel_loop3A_469, %parallel_loop3A_540 : i32
        %parallel_loop3A_542 = arith.constant 0 : i32
        %parallel_loop3A_543 = arith.constant 8 : i32
        %parallel_loop3A_544 = arith.index_cast %parallel_loop3A_542 : i32 to index
        %parallel_loop3A_545 = arith.index_cast %parallel_loop3A_543 : i32 to index
        %parallel_loop3A_546 = arith.index_cast %parallel_loop3A_541 : i32 to index
        %parallel_loop3A_547 = tpu.vector_load %arg6[%parallel_loop3A_544, %parallel_loop3A_545, %parallel_loop3A_546] {strides = array<i32>} : memref<3x12x2048xf32, #tpu.memory_space<vmem>>, vector<16xf32>,
        %parallel_loop3A_548 = arith.constant 16 : i32
        %parallel_loop3A_549 = arith.muli %parallel_loop3A_469, %parallel_loop3A_548 : i32
        %parallel_loop3A_550 = arith.constant 0 : i32
        %parallel_loop3A_551 = arith.constant 9 : i32
        %parallel_loop3A_552 = arith.index_cast %parallel_loop3A_550 : i32 to index
        %parallel_loop3A_553 = arith.index_cast %parallel_loop3A_551 : i32 to index
        %parallel_loop3A_554 = arith.index_cast %parallel_loop3A_549 : i32 to index
        %parallel_loop3A_555 = tpu.vector_load %arg6[%parallel_loop3A_552, %parallel_loop3A_553, %parallel_loop3A_554] {strides = array<i32>} : memref<3x12x2048xf32, #tpu.memory_space<vmem>>, vector<16xf32>,
        %parallel_loop3A_556 = arith.constant 16 : i32
        %parallel_loop3A_557 = arith.muli %parallel_loop3A_469, %parallel_loop3A_556 : i32
        %parallel_loop3A_558 = arith.constant 0 : i32
        %parallel_loop3A_559 = arith.constant 10 : i32
        %parallel_loop3A_560 = arith.index_cast %parallel_loop3A_558 : i32 to index
        %parallel_loop3A_561 = arith.index_cast %parallel_loop3A_559 : i32 to index
        %parallel_loop3A_562 = arith.index_cast %parallel_loop3A_557 : i32 to index
        %parallel_loop3A_563 = tpu.vector_load %arg6[%parallel_loop3A_560, %parallel_loop3A_561, %parallel_loop3A_562] {strides = array<i32>} : memref<3x12x2048xf32, #tpu.memory_space<vmem>>, vector<16xf32>,
        %parallel_loop3A_564 = arith.constant 16 : i32
        %parallel_loop3A_565 = arith.muli %parallel_loop3A_469, %parallel_loop3A_564 : i32
        %parallel_loop3A_566 = arith.constant 0 : i32
        %parallel_loop3A_567 = arith.constant 11 : i32
        %parallel_loop3A_568 = arith.index_cast %parallel_loop3A_566 : i32 to index
        %parallel_loop3A_569 = arith.index_cast %parallel_loop3A_567 : i32 to index
        %parallel_loop3A_570 = arith.index_cast %parallel_loop3A_565 : i32 to index
        %parallel_loop3A_571 = tpu.vector_load %arg6[%parallel_loop3A_568, %parallel_loop3A_569, %parallel_loop3A_570] {strides = array<i32>} : memref<3x12x2048xf32, #tpu.memory_space<vmem>>, vector<16xf32>,
        tpu.vector_store_idx %arg8[%parallel_loop3A_455], %broadcast_in_dim3A_35 {add = true} : memref<1024xf32, #tpu.memory_space<vmem>>[vector<16xi32>], vector<16xf32>,
        tpu.vector_store_idx %arg12[%parallel_loop3A_455], %parallel_loop3A_456 {add = true} : memref<1024xf32, #tpu.memory_space<vmem>>[vector<16xi32>], vector<16xf32>,
        tpu.vector_store_idx %arg13[%parallel_loop3A_455], %parallel_loop3A_457 {add = true} : memref<1024xf32, #tpu.memory_space<vmem>>[vector<16xi32>], vector<16xf32>,
        tpu.vector_store_idx %arg14[%parallel_loop3A_455], %parallel_loop3A_458 {add = true} : memref<1024xf32, #tpu.memory_space<vmem>>[vector<16xi32>], vector<16xf32>,
        tpu.vector_store_idx %arg15[%parallel_loop3A_455], %parallel_loop3A_459 {add = true} : memref<1024xf32, #tpu.memory_space<vmem>>[vector<16xi32>], vector<16xf32>,
        tpu.vector_store_idx %arg16[%parallel_loop3A_455], %parallel_loop3A_460 {add = true} : memref<1024xf32, #tpu.memory_space<vmem>>[vector<16xi32>], vector<16xf32>,
        tpu.vector_store_idx %arg17[%parallel_loop3A_455], %parallel_loop3A_461 {add = true} : memref<1024xf32, #tpu.memory_space<vmem>>[vector<16xi32>], vector<16xf32>,
        tpu.vector_store_idx %arg18[%parallel_loop3A_455], %parallel_loop3A_462 {add = true} : memref<1024xf32, #tpu.memory_space<vmem>>[vector<16xi32>], vector<16xf32>,
        tpu.vector_store_idx %arg19[%parallel_loop3A_455], %parallel_loop3A_463 {add = true} : memref<1024xf32, #tpu.memory_space<vmem>>[vector<16xi32>], vector<16xf32>,
        tpu.vector_store_idx %arg20[%parallel_loop3A_455], %parallel_loop3A_464 {add = true} : memref<1024xf32, #tpu.memory_space<vmem>>[vector<16xi32>], vector<16xf32>,
        tpu.vector_store_idx %arg21[%parallel_loop3A_455], %parallel_loop3A_465 {add = true} : memref<1024xf32, #tpu.memory_space<vmem>>[vector<16xi32>], vector<16xf32>,
        tpu.vector_store_idx %arg22[%parallel_loop3A_455], %parallel_loop3A_466 {add = true} : memref<1024xf32, #tpu.memory_space<vmem>>[vector<16xi32>], vector<16xf32>,
        tpu.vector_store_idx %arg23[%parallel_loop3A_455], %parallel_loop3A_467 {add = true} : memref<1024xf32, #tpu.memory_space<vmem>>[vector<16xi32>], vector<16xf32>,
        scf.yield %parallel_loop3A_475, %parallel_loop3A_483, %parallel_loop3A_491, %parallel_loop3A_499, %parallel_loop3A_507, %parallel_loop3A_515, %parallel_loop3A_523, %parallel_loop3A_531, %parallel_loop3A_539, %parallel_loop3A_547, %parallel_loop3A_555, %parallel_loop3A_563, %parallel_loop3A_571 : vector<16xi32>, vector<16xf32>, vector<16xf32>, vector<16xf32>, vector<16xf32>, vector<16xf32>, vector<16xf32>, vector<16xf32>, vector<16xf32>, vector<16xf32>, vector<16xf32>, vector<16xf32>, vector<16xf32>
      } {sc.loop_unroll_factor = 4 : i64, sc.parallel_access}
      tpu.vector_store_idx %arg8[%parallel_loop3A_223#0], %broadcast_in_dim3A_35 {add = true} : memref<1024xf32, #tpu.memory_space<vmem>>[vector<16xi32>], vector<16xf32>,
      tpu.vector_store_idx %arg12[%parallel_loop3A_223#0], %parallel_loop3A_223#1 {add = true} : memref<1024xf32, #tpu.memory_space<vmem>>[vector<16xi32>], vector<16xf32>,
      tpu.vector_store_idx %arg13[%parallel_loop3A_223#0], %parallel_loop3A_223#2 {add = true} : memref<1024xf32, #tpu.memory_space<vmem>>[vector<16xi32>], vector<16xf32>,
      tpu.vector_store_idx %arg14[%parallel_loop3A_223#0], %parallel_loop3A_223#3 {add = true} : memref<1024xf32, #tpu.memory_space<vmem>>[vector<16xi32>], vector<16xf32>,
      tpu.vector_store_idx %arg15[%parallel_loop3A_223#0], %parallel_loop3A_223#4 {add = true} : memref<1024xf32, #tpu.memory_space<vmem>>[vector<16xi32>], vector<16xf32>,
      tpu.vector_store_idx %arg16[%parallel_loop3A_223#0], %parallel_loop3A_223#5 {add = true} : memref<1024xf32, #tpu.memory_space<vmem>>[vector<16xi32>], vector<16xf32>,
      tpu.vector_store_idx %arg17[%parallel_loop3A_223#0], %parallel_loop3A_223#6 {add = true} : memref<1024xf32, #tpu.memory_space<vmem>>[vector<16xi32>], vector<16xf32>,
      tpu.vector_store_idx %arg18[%parallel_loop3A_223#0], %parallel_loop3A_223#7 {add = true} : memref<1024xf32, #tpu.memory_space<vmem>>[vector<16xi32>], vector<16xf32>,
      tpu.vector_store_idx %arg19[%parallel_loop3A_223#0], %parallel_loop3A_223#8 {add = true} : memref<1024xf32, #tpu.memory_space<vmem>>[vector<16xi32>], vector<16xf32>,
      tpu.vector_store_idx %arg20[%parallel_loop3A_223#0], %parallel_loop3A_223#9 {add = true} : memref<1024xf32, #tpu.memory_space<vmem>>[vector<16xi32>], vector<16xf32>,
      tpu.vector_store_idx %arg21[%parallel_loop3A_223#0], %parallel_loop3A_223#10 {add = true} : memref<1024xf32, #tpu.memory_space<vmem>>[vector<16xi32>], vector<16xf32>,
      tpu.vector_store_idx %arg22[%parallel_loop3A_223#0], %parallel_loop3A_223#11 {add = true} : memref<1024xf32, #tpu.memory_space<vmem>>[vector<16xi32>], vector<16xf32>,
      tpu.vector_store_idx %arg23[%parallel_loop3A_223#0], %parallel_loop3A_223#12 {add = true} : memref<1024xf32, #tpu.memory_space<vmem>>[vector<16xi32>], vector<16xf32>,
      %add3A_224 = arith.constant 1 : i32
      %add3A_225 = arith.addi %add3A_113, %add3A_224 : i32
      %add3A_226 = arith.constant 2 : i32
      %add3A_227 = arith.addi %add3A_225, %add3A_226 : i32
      %lt3A_228 = arith.constant 72 : i32
      %lt3A_229 = arith.cmpi slt, %add3A_227, %lt3A_228 : i32
      %convert_element_type3A_230 = arith.extui %lt3A_229 : i1 to i32
      %cond3A_231 = arith.constant 0 : i32
      %cond3A_232 = arith.cmpi ne, %convert_element_type3A_230, %cond3A_231 : i32
      scf.if %cond3A_232 {
        %add3A_454 = arith.constant 2 : i32
        %add3A_455 = arith.addi %add3A_225, %add3A_454 : i32
        %mul3A_456 = arith.constant 2048 : i32
        %mul3A_457 = arith.muli %add3A_455, %mul3A_456 : i32
        %dma_start3A_458 = arith.constant 0 : i32
        %dma_start3A_459 = arith.constant 0 : i32
        %dma_start3A_460 = tpu.memref_slice %arg5[%dma_start3A_458, %dma_start3A_459] : memref<3x2048xi32, #tpu.memory_space<vmem>> -> memref<1x2048xi32, #tpu.memory_space<vmem>>
        %dma_start3A_461 = tpu.memref_squeeze %dma_start3A_460 : memref<1x2048xi32, #tpu.memory_space<vmem>> -> memref<2048xi32, #tpu.memory_space<vmem>>
        %dma_start3A_462 = tpu.memref_slice %arg3[%select_n3A, %mul3A_457] : memref<4x147456xi32, #tpu.memory_space<hbm>> -> memref<1x2048xi32, #tpu.memory_space<hbm>>
        %dma_start3A_463 = tpu.memref_squeeze %dma_start3A_462 : memref<1x2048xi32, #tpu.memory_space<hbm>> -> memref<2048xi32, #tpu.memory_space<hbm>>
        %dma_start3A_464 = arith.constant 0 : i32
        %dma_start3A_465 = tpu.memref_slice %arg5[%dma_start3A_458, %dma_start3A_464] : memref<3x2048xi32, #tpu.memory_space<vmem>> -> memref<1x2048xi32, #tpu.memory_space<vmem>>
        %dma_start3A_466 = tpu.memref_squeeze %dma_start3A_465 : memref<1x2048xi32, #tpu.memory_space<vmem>> -> memref<2048xi32, #tpu.memory_space<vmem>>
        %dma_start3A_467 = tpu.memref_slice %arg3[%select_n3A, %mul3A_457] : memref<4x147456xi32, #tpu.memory_space<hbm>> -> memref<1x2048xi32, #tpu.memory_space<hbm>>
        %dma_start3A_468 = tpu.memref_squeeze %dma_start3A_467 : memref<1x2048xi32, #tpu.memory_space<hbm>> -> memref<2048xi32, #tpu.memory_space<hbm>>
        tpu.enqueue_dma source(%dma_start3A_468 : memref<2048xi32, #tpu.memory_space<hbm>>) target(%dma_start3A_466 : memref<2048xi32, #tpu.memory_space<vmem>>) target_semaphore(%arg9 : memref<!tpu.dma_semaphore, #tpu.memory_space<semaphore_mem>>)
        %dma_start3A_469 = arith.constant 0 : i32
        %dma_start3A_470 = arith.constant 0 : i32
        %dma_start3A_471 = arith.constant 0 : i32
        %dma_start3A_472 = tpu.memref_slice %arg6[%dma_start3A_469, %dma_start3A_470, %dma_start3A_471] : memref<3x12x2048xf32, #tpu.memory_space<vmem>> -> memref<1x12x2048xf32, #tpu.memory_space<vmem>>
        %dma_start3A_473 = tpu.memref_squeeze %dma_start3A_472 : memref<1x12x2048xf32, #tpu.memory_space<vmem>> -> memref<12x2048xf32, #tpu.memory_space<vmem>>
        %dma_start3A_474 = tpu.memref_slice %arg2[%select_n3A, %mul3A_32, %mul3A_457] : memref<4x96x147456xf32, #tpu.memory_space<hbm>> -> memref<1x12x2048xf32, #tpu.memory_space<hbm>>
        %dma_start3A_475 = tpu.memref_squeeze %dma_start3A_474 : memref<1x12x2048xf32, #tpu.memory_space<hbm>> -> memref<12x2048xf32, #tpu.memory_space<hbm>>
        %dma_start3A_476 = arith.constant 0 : i32
        %dma_start3A_477 = arith.constant 0 : i32
        %dma_start3A_478 = tpu.memref_slice %arg6[%dma_start3A_469, %dma_start3A_476, %dma_start3A_477] : memref<3x12x2048xf32, #tpu.memory_space<vmem>> -> memref<1x12x2048xf32, #tpu.memory_space<vmem>>
        %dma_start3A_479 = tpu.memref_squeeze %dma_start3A_478 : memref<1x12x2048xf32, #tpu.memory_space<vmem>> -> memref<12x2048xf32, #tpu.memory_space<vmem>>
        %dma_start3A_480 = tpu.memref_slice %arg2[%select_n3A, %mul3A_32, %mul3A_457] : memref<4x96x147456xf32, #tpu.memory_space<hbm>> -> memref<1x12x2048xf32, #tpu.memory_space<hbm>>
        %dma_start3A_481 = tpu.memref_squeeze %dma_start3A_480 : memref<1x12x2048xf32, #tpu.memory_space<hbm>> -> memref<12x2048xf32, #tpu.memory_space<hbm>>
        tpu.enqueue_dma source(%dma_start3A_481 : memref<12x2048xf32, #tpu.memory_space<hbm>>) target(%dma_start3A_479 : memref<12x2048xf32, #tpu.memory_space<vmem>>) target_semaphore(%arg9 : memref<!tpu.dma_semaphore, #tpu.memory_space<semaphore_mem>>)
      } else {
      }
      %mul3A_233 = arith.constant 2048 : i32
      %mul3A_234 = arith.muli %add3A_225, %mul3A_233 : i32
      %dma_wait3A_235 = arith.constant 1 : i32
      %dma_wait3A_236 = arith.constant 0 : i32
      %dma_wait3A_237 = tpu.memref_slice %arg5[%dma_wait3A_235, %dma_wait3A_236] : memref<3x2048xi32, #tpu.memory_space<vmem>> -> memref<1x2048xi32, #tpu.memory_space<vmem>>
      %dma_wait3A_238 = tpu.memref_squeeze %dma_wait3A_237 : memref<1x2048xi32, #tpu.memory_space<vmem>> -> memref<2048xi32, #tpu.memory_space<vmem>>
      %dma_wait3A_239 = tpu.memref_slice %arg3[%select_n3A, %mul3A_234] : memref<4x147456xi32, #tpu.memory_space<hbm>> -> memref<1x2048xi32, #tpu.memory_space<hbm>>
      %dma_wait3A_240 = tpu.memref_squeeze %dma_wait3A_239 : memref<1x2048xi32, #tpu.memory_space<hbm>> -> memref<2048xi32, #tpu.memory_space<hbm>>
      %dma_wait3A_241 = arith.constant 0 : i32
      %dma_wait3A_242 = tpu.memref_slice %arg5[%dma_wait3A_235, %dma_wait3A_241] : memref<3x2048xi32, #tpu.memory_space<vmem>> -> memref<1x2048xi32, #tpu.memory_space<vmem>>
      %dma_wait3A_243 = tpu.memref_squeeze %dma_wait3A_242 : memref<1x2048xi32, #tpu.memory_space<vmem>> -> memref<2048xi32, #tpu.memory_space<vmem>>
      %dma_wait3A_244 = tpu.memref_slice %arg3[%select_n3A, %mul3A_234] : memref<4x147456xi32, #tpu.memory_space<hbm>> -> memref<1x2048xi32, #tpu.memory_space<hbm>>
      %dma_wait3A_245 = tpu.memref_squeeze %dma_wait3A_244 : memref<1x2048xi32, #tpu.memory_space<hbm>> -> memref<2048xi32, #tpu.memory_space<hbm>>
      tpu.wait_dma2 semaphore(%arg10 : memref<!tpu.dma_semaphore, #tpu.memory_space<semaphore_mem>>) src(%dma_wait3A_245 : memref<2048xi32, #tpu.memory_space<hbm>>) dst(%dma_wait3A_243 : memref<2048xi32, #tpu.memory_space<vmem>>)
      %dma_wait3A_246 = arith.constant 1 : i32
      %dma_wait3A_247 = arith.constant 0 : i32
      %dma_wait3A_248 = arith.constant 0 : i32
      %dma_wait3A_249 = tpu.memref_slice %arg6[%dma_wait3A_246, %dma_wait3A_247, %dma_wait3A_248] : memref<3x12x2048xf32, #tpu.memory_space<vmem>> -> memref<1x12x2048xf32, #tpu.memory_space<vmem>>
      %dma_wait3A_250 = tpu.memref_squeeze %dma_wait3A_249 : memref<1x12x2048xf32, #tpu.memory_space<vmem>> -> memref<12x2048xf32, #tpu.memory_space<vmem>>
      %dma_wait3A_251 = tpu.memref_slice %arg2[%select_n3A, %mul3A_32, %mul3A_234] : memref<4x96x147456xf32, #tpu.memory_space<hbm>> -> memref<1x12x2048xf32, #tpu.memory_space<hbm>>
      %dma_wait3A_252 = tpu.memref_squeeze %dma_wait3A_251 : memref<1x12x2048xf32, #tpu.memory_space<hbm>> -> memref<12x2048xf32, #tpu.memory_space<hbm>>
      %dma_wait3A_253 = arith.constant 0 : i32
      %dma_wait3A_254 = arith.constant 0 : i32
      %dma_wait3A_255 = tpu.memref_slice %arg6[%dma_wait3A_246, %dma_wait3A_253, %dma_wait3A_254] : memref<3x12x2048xf32, #tpu.memory_space<vmem>> -> memref<1x12x2048xf32, #tpu.memory_space<vmem>>
      %dma_wait3A_256 = tpu.memref_squeeze %dma_wait3A_255 : memref<1x12x2048xf32, #tpu.memory_space<vmem>> -> memref<12x2048xf32, #tpu.memory_space<vmem>>
      %dma_wait3A_257 = tpu.memref_slice %arg2[%select_n3A, %mul3A_32, %mul3A_234] : memref<4x96x147456xf32, #tpu.memory_space<hbm>> -> memref<1x12x2048xf32, #tpu.memory_space<hbm>>
      %dma_wait3A_258 = tpu.memref_squeeze %dma_wait3A_257 : memref<1x12x2048xf32, #tpu.memory_space<hbm>> -> memref<12x2048xf32, #tpu.memory_space<hbm>>
      tpu.wait_dma2 semaphore(%arg10 : memref<!tpu.dma_semaphore, #tpu.memory_space<semaphore_mem>>) src(%dma_wait3A_258 : memref<12x2048xf32, #tpu.memory_space<hbm>>) dst(%dma_wait3A_256 : memref<12x2048xf32, #tpu.memory_space<vmem>>)
      %get3A_259 = arith.constant 1 : i32
      %get3A_260 = arith.index_cast %get3A_259 : i32 to index
      %get3A_261 = arith.constant 0 : index
      %get3A_262 = tpu.vector_load %arg5[%get3A_260, %get3A_261] {strides = array<i32>} : memref<3x2048xi32, #tpu.memory_space<vmem>>, vector<16xi32>,
      %get3A_263 = arith.constant 1 : i32
      %get3A_264 = arith.constant 0 : i32
      %get3A_265 = arith.index_cast %get3A_263 : i32 to index
      %get3A_266 = arith.index_cast %get3A_264 : i32 to index
      %get3A_267 = arith.constant 0 : index
      %get3A_268 = tpu.vector_load %arg6[%get3A_265, %get3A_266, %get3A_267] {strides = array<i32>} : memref<3x12x2048xf32, #tpu.memory_space<vmem>>, vector<16xf32>,
      %get3A_269 = arith.constant 1 : i32
      %get3A_270 = arith.constant 1 : i32
      %get3A_271 = arith.index_cast %get3A_269 : i32 to index
      %get3A_272 = arith.index_cast %get3A_270 : i32 to index
      %get3A_273 = arith.constant 0 : index
      %get3A_274 = tpu.vector_load %arg6[%get3A_271, %get3A_272, %get3A_273] {strides = array<i32>} : memref<3x12x2048xf32, #tpu.memory_space<vmem>>, vector<16xf32>,
      %get3A_275 = arith.constant 1 : i32
      %get3A_276 = arith.constant 2 : i32
      %get3A_277 = arith.index_cast %get3A_275 : i32 to index
      %get3A_278 = arith.index_cast %get3A_276 : i32 to index
      %get3A_279 = arith.constant 0 : index
      %get3A_280 = tpu.vector_load %arg6[%get3A_277, %get3A_278, %get3A_279] {strides = array<i32>} : memref<3x12x2048xf32, #tpu.memory_space<vmem>>, vector<16xf32>,
      %get3A_281 = arith.constant 1 : i32
      %get3A_282 = arith.constant 3 : i32
      %get3A_283 = arith.index_cast %get3A_281 : i32 to index
      %get3A_284 = arith.index_cast %get3A_282 : i32 to index
      %get3A_285 = arith.constant 0 : index
      %get3A_286 = tpu.vector_load %arg6[%get3A_283, %get3A_284, %get3A_285] {strides = array<i32>} : memref<3x12x2048xf32, #tpu.memory_space<vmem>>, vector<16xf32>,
      %get3A_287 = arith.constant 1 : i32
      %get3A_288 = arith.constant 4 : i32
      %get3A_289 = arith.index_cast %get3A_287 : i32 to index
      %get3A_290 = arith.index_cast %get3A_288 : i32 to index
      %get3A_291 = arith.constant 0 : index
      %get3A_292 = tpu.vector_load %arg6[%get3A_289, %get3A_290, %get3A_291] {strides = array<i32>} : memref<3x12x2048xf32, #tpu.memory_space<vmem>>, vector<16xf32>,
      %get3A_293 = arith.constant 1 : i32
      %get3A_294 = arith.constant 5 : i32
      %get3A_295 = arith.index_cast %get3A_293 : i32 to index
      %get3A_296 = arith.index_cast %get3A_294 : i32 to index
      %get3A_297 = arith.constant 0 : index
      %get3A_298 = tpu.vector_load %arg6[%get3A_295, %get3A_296, %get3A_297] {strides = array<i32>} : memref<3x12x2048xf32, #tpu.memory_space<vmem>>, vector<16xf32>,
      %get3A_299 = arith.constant 1 : i32
      %get3A_300 = arith.constant 6 : i32
      %get3A_301 = arith.index_cast %get3A_299 : i32 to index
      %get3A_302 = arith.index_cast %get3A_300 : i32 to index
      %get3A_303 = arith.constant 0 : index
      %get3A_304 = tpu.vector_load %arg6[%get3A_301, %get3A_302, %get3A_303] {strides = array<i32>} : memref<3x12x2048xf32, #tpu.memory_space<vmem>>, vector<16xf32>,
      %get3A_305 = arith.constant 1 : i32
      %get3A_306 = arith.constant 7 : i32
      %get3A_307 = arith.index_cast %get3A_305 : i32 to index
      %get3A_308 = arith.index_cast %get3A_306 : i32 to index
      %get3A_309 = arith.constant 0 : index
      %get3A_310 = tpu.vector_load %arg6[%get3A_307, %get3A_308, %get3A_309] {strides = array<i32>} : memref<3x12x2048xf32, #tpu.memory_space<vmem>>, vector<16xf32>,
      %get3A_311 = arith.constant 1 : i32
      %get3A_312 = arith.constant 8 : i32
      %get3A_313 = arith.index_cast %get3A_311 : i32 to index
      %get3A_314 = arith.index_cast %get3A_312 : i32 to index
      %get3A_315 = arith.constant 0 : index
      %get3A_316 = tpu.vector_load %arg6[%get3A_313, %get3A_314, %get3A_315] {strides = array<i32>} : memref<3x12x2048xf32, #tpu.memory_space<vmem>>, vector<16xf32>,
      %get3A_317 = arith.constant 1 : i32
      %get3A_318 = arith.constant 9 : i32
      %get3A_319 = arith.index_cast %get3A_317 : i32 to index
      %get3A_320 = arith.index_cast %get3A_318 : i32 to index
      %get3A_321 = arith.constant 0 : index
      %get3A_322 = tpu.vector_load %arg6[%get3A_319, %get3A_320, %get3A_321] {strides = array<i32>} : memref<3x12x2048xf32, #tpu.memory_space<vmem>>, vector<16xf32>,
      %get3A_323 = arith.constant 1 : i32
      %get3A_324 = arith.constant 10 : i32
      %get3A_325 = arith.index_cast %get3A_323 : i32 to index
      %get3A_326 = arith.index_cast %get3A_324 : i32 to index
      %get3A_327 = arith.constant 0 : index
      %get3A_328 = tpu.vector_load %arg6[%get3A_325, %get3A_326, %get3A_327] {strides = array<i32>} : memref<3x12x2048xf32, #tpu.memory_space<vmem>>, vector<16xf32>,
      %get3A_329 = arith.constant 1 : i32
      %get3A_330 = arith.constant 11 : i32
      %get3A_331 = arith.index_cast %get3A_329 : i32 to index
      %get3A_332 = arith.index_cast %get3A_330 : i32 to index
      %get3A_333 = arith.constant 0 : index
      %get3A_334 = tpu.vector_load %arg6[%get3A_331, %get3A_332, %get3A_333] {strides = array<i32>} : memref<3x12x2048xf32, #tpu.memory_space<vmem>>, vector<16xf32>,
      %parallel_loop3A_335 = arith.constant 0 : i32
      %parallel_loop3A_336 = arith.constant 127 : i32
      %parallel_loop3A_337 = arith.constant 1 : i32
      %parallel_loop3A_338:13 = scf.for %parallel_loop3A_454 = %parallel_loop3A_335 to %parallel_loop3A_336 step %parallel_loop3A_337 iter_args(%parallel_loop3A_455 = %get3A_262, %parallel_loop3A_456 = %get3A_268, %parallel_loop3A_457 = %get3A_274, %parallel_loop3A_458 = %get3A_280, %parallel_loop3A_459 = %get3A_286, %parallel_loop3A_460 = %get3A_292, %parallel_loop3A_461 = %get3A_298, %parallel_loop3A_462 = %get3A_304, %parallel_loop3A_463 = %get3A_310, %parallel_loop3A_464 = %get3A_316, %parallel_loop3A_465 = %get3A_322, %parallel_loop3A_466 = %get3A_328, %parallel_loop3A_467 = %get3A_334) -> (vector<16xi32>, vector<16xf32>, vector<16xf32>, vector<16xf32>, vector<16xf32>, vector<16xf32>, vector<16xf32>, vector<16xf32>, vector<16xf32>, vector<16xf32>, vector<16xf32>, vector<16xf32>, vector<16xf32>)  : i32 {
        %parallel_loop3A_468 = arith.constant 1 : i32
        %parallel_loop3A_469 = arith.addi %parallel_loop3A_454, %parallel_loop3A_468 : i32
        %parallel_loop3A_470 = arith.constant 16 : i32
        %parallel_loop3A_471 = arith.muli %parallel_loop3A_469, %parallel_loop3A_470 : i32
        %parallel_loop3A_472 = arith.constant 1 : i32
        %parallel_loop3A_473 = arith.index_cast %parallel_loop3A_472 : i32 to index
        %parallel_loop3A_474 = arith.index_cast %parallel_loop3A_471 : i32 to index
        %parallel_loop3A_475 = tpu.vector_load %arg5[%parallel_loop3A_473, %parallel_loop3A_474] {strides = array<i32>} : memref<3x2048xi32, #tpu.memory_space<vmem>>, vector<16xi32>,
        %parallel_loop3A_476 = arith.constant 16 : i32
        %parallel_loop3A_477 = arith.muli %parallel_loop3A_469, %parallel_loop3A_476 : i32
        %parallel_loop3A_478 = arith.constant 1 : i32
        %parallel_loop3A_479 = arith.constant 0 : i32
        %parallel_loop3A_480 = arith.index_cast %parallel_loop3A_478 : i32 to index
        %parallel_loop3A_481 = arith.index_cast %parallel_loop3A_479 : i32 to index
        %parallel_loop3A_482 = arith.index_cast %parallel_loop3A_477 : i32 to index
        %parallel_loop3A_483 = tpu.vector_load %arg6[%parallel_loop3A_480, %parallel_loop3A_481, %parallel_loop3A_482] {strides = array<i32>} : memref<3x12x2048xf32, #tpu.memory_space<vmem>>, vector<16xf32>,
        %parallel_loop3A_484 = arith.constant 16 : i32
        %parallel_loop3A_485 = arith.muli %parallel_loop3A_469, %parallel_loop3A_484 : i32
        %parallel_loop3A_486 = arith.constant 1 : i32
        %parallel_loop3A_487 = arith.constant 1 : i32
        %parallel_loop3A_488 = arith.index_cast %parallel_loop3A_486 : i32 to index
        %parallel_loop3A_489 = arith.index_cast %parallel_loop3A_487 : i32 to index
        %parallel_loop3A_490 = arith.index_cast %parallel_loop3A_485 : i32 to index
        %parallel_loop3A_491 = tpu.vector_load %arg6[%parallel_loop3A_488, %parallel_loop3A_489, %parallel_loop3A_490] {strides = array<i32>} : memref<3x12x2048xf32, #tpu.memory_space<vmem>>, vector<16xf32>,
        %parallel_loop3A_492 = arith.constant 16 : i32
        %parallel_loop3A_493 = arith.muli %parallel_loop3A_469, %parallel_loop3A_492 : i32
        %parallel_loop3A_494 = arith.constant 1 : i32
        %parallel_loop3A_495 = arith.constant 2 : i32
        %parallel_loop3A_496 = arith.index_cast %parallel_loop3A_494 : i32 to index
        %parallel_loop3A_497 = arith.index_cast %parallel_loop3A_495 : i32 to index
        %parallel_loop3A_498 = arith.index_cast %parallel_loop3A_493 : i32 to index
        %parallel_loop3A_499 = tpu.vector_load %arg6[%parallel_loop3A_496, %parallel_loop3A_497, %parallel_loop3A_498] {strides = array<i32>} : memref<3x12x2048xf32, #tpu.memory_space<vmem>>, vector<16xf32>,
        %parallel_loop3A_500 = arith.constant 16 : i32
        %parallel_loop3A_501 = arith.muli %parallel_loop3A_469, %parallel_loop3A_500 : i32
        %parallel_loop3A_502 = arith.constant 1 : i32
        %parallel_loop3A_503 = arith.constant 3 : i32
        %parallel_loop3A_504 = arith.index_cast %parallel_loop3A_502 : i32 to index
        %parallel_loop3A_505 = arith.index_cast %parallel_loop3A_503 : i32 to index
        %parallel_loop3A_506 = arith.index_cast %parallel_loop3A_501 : i32 to index
        %parallel_loop3A_507 = tpu.vector_load %arg6[%parallel_loop3A_504, %parallel_loop3A_505, %parallel_loop3A_506] {strides = array<i32>} : memref<3x12x2048xf32, #tpu.memory_space<vmem>>, vector<16xf32>,
        %parallel_loop3A_508 = arith.constant 16 : i32
        %parallel_loop3A_509 = arith.muli %parallel_loop3A_469, %parallel_loop3A_508 : i32
        %parallel_loop3A_510 = arith.constant 1 : i32
        %parallel_loop3A_511 = arith.constant 4 : i32
        %parallel_loop3A_512 = arith.index_cast %parallel_loop3A_510 : i32 to index
        %parallel_loop3A_513 = arith.index_cast %parallel_loop3A_511 : i32 to index
        %parallel_loop3A_514 = arith.index_cast %parallel_loop3A_509 : i32 to index
        %parallel_loop3A_515 = tpu.vector_load %arg6[%parallel_loop3A_512, %parallel_loop3A_513, %parallel_loop3A_514] {strides = array<i32>} : memref<3x12x2048xf32, #tpu.memory_space<vmem>>, vector<16xf32>,
        %parallel_loop3A_516 = arith.constant 16 : i32
        %parallel_loop3A_517 = arith.muli %parallel_loop3A_469, %parallel_loop3A_516 : i32
        %parallel_loop3A_518 = arith.constant 1 : i32
        %parallel_loop3A_519 = arith.constant 5 : i32
        %parallel_loop3A_520 = arith.index_cast %parallel_loop3A_518 : i32 to index
        %parallel_loop3A_521 = arith.index_cast %parallel_loop3A_519 : i32 to index
        %parallel_loop3A_522 = arith.index_cast %parallel_loop3A_517 : i32 to index
        %parallel_loop3A_523 = tpu.vector_load %arg6[%parallel_loop3A_520, %parallel_loop3A_521, %parallel_loop3A_522] {strides = array<i32>} : memref<3x12x2048xf32, #tpu.memory_space<vmem>>, vector<16xf32>,
        %parallel_loop3A_524 = arith.constant 16 : i32
        %parallel_loop3A_525 = arith.muli %parallel_loop3A_469, %parallel_loop3A_524 : i32
        %parallel_loop3A_526 = arith.constant 1 : i32
        %parallel_loop3A_527 = arith.constant 6 : i32
        %parallel_loop3A_528 = arith.index_cast %parallel_loop3A_526 : i32 to index
        %parallel_loop3A_529 = arith.index_cast %parallel_loop3A_527 : i32 to index
        %parallel_loop3A_530 = arith.index_cast %parallel_loop3A_525 : i32 to index
        %parallel_loop3A_531 = tpu.vector_load %arg6[%parallel_loop3A_528, %parallel_loop3A_529, %parallel_loop3A_530] {strides = array<i32>} : memref<3x12x2048xf32, #tpu.memory_space<vmem>>, vector<16xf32>,
        %parallel_loop3A_532 = arith.constant 16 : i32
        %parallel_loop3A_533 = arith.muli %parallel_loop3A_469, %parallel_loop3A_532 : i32
        %parallel_loop3A_534 = arith.constant 1 : i32
        %parallel_loop3A_535 = arith.constant 7 : i32
        %parallel_loop3A_536 = arith.index_cast %parallel_loop3A_534 : i32 to index
        %parallel_loop3A_537 = arith.index_cast %parallel_loop3A_535 : i32 to index
        %parallel_loop3A_538 = arith.index_cast %parallel_loop3A_533 : i32 to index
        %parallel_loop3A_539 = tpu.vector_load %arg6[%parallel_loop3A_536, %parallel_loop3A_537, %parallel_loop3A_538] {strides = array<i32>} : memref<3x12x2048xf32, #tpu.memory_space<vmem>>, vector<16xf32>,
        %parallel_loop3A_540 = arith.constant 16 : i32
        %parallel_loop3A_541 = arith.muli %parallel_loop3A_469, %parallel_loop3A_540 : i32
        %parallel_loop3A_542 = arith.constant 1 : i32
        %parallel_loop3A_543 = arith.constant 8 : i32
        %parallel_loop3A_544 = arith.index_cast %parallel_loop3A_542 : i32 to index
        %parallel_loop3A_545 = arith.index_cast %parallel_loop3A_543 : i32 to index
        %parallel_loop3A_546 = arith.index_cast %parallel_loop3A_541 : i32 to index
        %parallel_loop3A_547 = tpu.vector_load %arg6[%parallel_loop3A_544, %parallel_loop3A_545, %parallel_loop3A_546] {strides = array<i32>} : memref<3x12x2048xf32, #tpu.memory_space<vmem>>, vector<16xf32>,
        %parallel_loop3A_548 = arith.constant 16 : i32
        %parallel_loop3A_549 = arith.muli %parallel_loop3A_469, %parallel_loop3A_548 : i32
        %parallel_loop3A_550 = arith.constant 1 : i32
        %parallel_loop3A_551 = arith.constant 9 : i32
        %parallel_loop3A_552 = arith.index_cast %parallel_loop3A_550 : i32 to index
        %parallel_loop3A_553 = arith.index_cast %parallel_loop3A_551 : i32 to index
        %parallel_loop3A_554 = arith.index_cast %parallel_loop3A_549 : i32 to index
        %parallel_loop3A_555 = tpu.vector_load %arg6[%parallel_loop3A_552, %parallel_loop3A_553, %parallel_loop3A_554] {strides = array<i32>} : memref<3x12x2048xf32, #tpu.memory_space<vmem>>, vector<16xf32>,
        %parallel_loop3A_556 = arith.constant 16 : i32
        %parallel_loop3A_557 = arith.muli %parallel_loop3A_469, %parallel_loop3A_556 : i32
        %parallel_loop3A_558 = arith.constant 1 : i32
        %parallel_loop3A_559 = arith.constant 10 : i32
        %parallel_loop3A_560 = arith.index_cast %parallel_loop3A_558 : i32 to index
        %parallel_loop3A_561 = arith.index_cast %parallel_loop3A_559 : i32 to index
        %parallel_loop3A_562 = arith.index_cast %parallel_loop3A_557 : i32 to index
        %parallel_loop3A_563 = tpu.vector_load %arg6[%parallel_loop3A_560, %parallel_loop3A_561, %parallel_loop3A_562] {strides = array<i32>} : memref<3x12x2048xf32, #tpu.memory_space<vmem>>, vector<16xf32>,
        %parallel_loop3A_564 = arith.constant 16 : i32
        %parallel_loop3A_565 = arith.muli %parallel_loop3A_469, %parallel_loop3A_564 : i32
        %parallel_loop3A_566 = arith.constant 1 : i32
        %parallel_loop3A_567 = arith.constant 11 : i32
        %parallel_loop3A_568 = arith.index_cast %parallel_loop3A_566 : i32 to index
        %parallel_loop3A_569 = arith.index_cast %parallel_loop3A_567 : i32 to index
        %parallel_loop3A_570 = arith.index_cast %parallel_loop3A_565 : i32 to index
        %parallel_loop3A_571 = tpu.vector_load %arg6[%parallel_loop3A_568, %parallel_loop3A_569, %parallel_loop3A_570] {strides = array<i32>} : memref<3x12x2048xf32, #tpu.memory_space<vmem>>, vector<16xf32>,
        tpu.vector_store_idx %arg8[%parallel_loop3A_455], %broadcast_in_dim3A_35 {add = true} : memref<1024xf32, #tpu.memory_space<vmem>>[vector<16xi32>], vector<16xf32>,
        tpu.vector_store_idx %arg12[%parallel_loop3A_455], %parallel_loop3A_456 {add = true} : memref<1024xf32, #tpu.memory_space<vmem>>[vector<16xi32>], vector<16xf32>,
        tpu.vector_store_idx %arg13[%parallel_loop3A_455], %parallel_loop3A_457 {add = true} : memref<1024xf32, #tpu.memory_space<vmem>>[vector<16xi32>], vector<16xf32>,
        tpu.vector_store_idx %arg14[%parallel_loop3A_455], %parallel_loop3A_458 {add = true} : memref<1024xf32, #tpu.memory_space<vmem>>[vector<16xi32>], vector<16xf32>,
        tpu.vector_store_idx %arg15[%parallel_loop3A_455], %parallel_loop3A_459 {add = true} : memref<1024xf32, #tpu.memory_space<vmem>>[vector<16xi32>], vector<16xf32>,
        tpu.vector_store_idx %arg16[%parallel_loop3A_455], %parallel_loop3A_460 {add = true} : memref<1024xf32, #tpu.memory_space<vmem>>[vector<16xi32>], vector<16xf32>,
        tpu.vector_store_idx %arg17[%parallel_loop3A_455], %parallel_loop3A_461 {add = true} : memref<1024xf32, #tpu.memory_space<vmem>>[vector<16xi32>], vector<16xf32>,
        tpu.vector_store_idx %arg18[%parallel_loop3A_455], %parallel_loop3A_462 {add = true} : memref<1024xf32, #tpu.memory_space<vmem>>[vector<16xi32>], vector<16xf32>,
        tpu.vector_store_idx %arg19[%parallel_loop3A_455], %parallel_loop3A_463 {add = true} : memref<1024xf32, #tpu.memory_space<vmem>>[vector<16xi32>], vector<16xf32>,
        tpu.vector_store_idx %arg20[%parallel_loop3A_455], %parallel_loop3A_464 {add = true} : memref<1024xf32, #tpu.memory_space<vmem>>[vector<16xi32>], vector<16xf32>,
        tpu.vector_store_idx %arg21[%parallel_loop3A_455], %parallel_loop3A_465 {add = true} : memref<1024xf32, #tpu.memory_space<vmem>>[vector<16xi32>], vector<16xf32>,
        tpu.vector_store_idx %arg22[%parallel_loop3A_455], %parallel_loop3A_466 {add = true} : memref<1024xf32, #tpu.memory_space<vmem>>[vector<16xi32>], vector<16xf32>,
        tpu.vector_store_idx %arg23[%parallel_loop3A_455], %parallel_loop3A_467 {add = true} : memref<1024xf32, #tpu.memory_space<vmem>>[vector<16xi32>], vector<16xf32>,
        scf.yield %parallel_loop3A_475, %parallel_loop3A_483, %parallel_loop3A_491, %parallel_loop3A_499, %parallel_loop3A_507, %parallel_loop3A_515, %parallel_loop3A_523, %parallel_loop3A_531, %parallel_loop3A_539, %parallel_loop3A_547, %parallel_loop3A_555, %parallel_loop3A_563, %parallel_loop3A_571 : vector<16xi32>, vector<16xf32>, vector<16xf32>, vector<16xf32>, vector<16xf32>, vector<16xf32>, vector<16xf32>, vector<16xf32>, vector<16xf32>, vector<16xf32>, vector<16xf32>, vector<16xf32>, vector<16xf32>
      } {sc.loop_unroll_factor = 4 : i64, sc.parallel_access}
      tpu.vector_store_idx %arg8[%parallel_loop3A_338#0], %broadcast_in_dim3A_35 {add = true} : memref<1024xf32, #tpu.memory_space<vmem>>[vector<16xi32>], vector<16xf32>,
      tpu.vector_store_idx %arg12[%parallel_loop3A_338#0], %parallel_loop3A_338#1 {add = true} : memref<1024xf32, #tpu.memory_space<vmem>>[vector<16xi32>], vector<16xf32>,
      tpu.vector_store_idx %arg13[%parallel_loop3A_338#0], %parallel_loop3A_338#2 {add = true} : memref<1024xf32, #tpu.memory_space<vmem>>[vector<16xi32>], vector<16xf32>,
      tpu.vector_store_idx %arg14[%parallel_loop3A_338#0], %parallel_loop3A_338#3 {add = true} : memref<1024xf32, #tpu.memory_space<vmem>>[vector<16xi32>], vector<16xf32>,
      tpu.vector_store_idx %arg15[%parallel_loop3A_338#0], %parallel_loop3A_338#4 {add = true} : memref<1024xf32, #tpu.memory_space<vmem>>[vector<16xi32>], vector<16xf32>,
      tpu.vector_store_idx %arg16[%parallel_loop3A_338#0], %parallel_loop3A_338#5 {add = true} : memref<1024xf32, #tpu.memory_space<vmem>>[vector<16xi32>], vector<16xf32>,
      tpu.vector_store_idx %arg17[%parallel_loop3A_338#0], %parallel_loop3A_338#6 {add = true} : memref<1024xf32, #tpu.memory_space<vmem>>[vector<16xi32>], vector<16xf32>,
      tpu.vector_store_idx %arg18[%parallel_loop3A_338#0], %parallel_loop3A_338#7 {add = true} : memref<1024xf32, #tpu.memory_space<vmem>>[vector<16xi32>], vector<16xf32>,
      tpu.vector_store_idx %arg19[%parallel_loop3A_338#0], %parallel_loop3A_338#8 {add = true} : memref<1024xf32, #tpu.memory_space<vmem>>[vector<16xi32>], vector<16xf32>,
      tpu.vector_store_idx %arg20[%parallel_loop3A_338#0], %parallel_loop3A_338#9 {add = true} : memref<1024xf32, #tpu.memory_space<vmem>>[vector<16xi32>], vector<16xf32>,
      tpu.vector_store_idx %arg21[%parallel_loop3A_338#0], %parallel_loop3A_338#10 {add = true} : memref<1024xf32, #tpu.memory_space<vmem>>[vector<16xi32>], vector<16xf32>,
      tpu.vector_store_idx %arg22[%parallel_loop3A_338#0], %parallel_loop3A_338#11 {add = true} : memref<1024xf32, #tpu.memory_space<vmem>>[vector<16xi32>], vector<16xf32>,
      tpu.vector_store_idx %arg23[%parallel_loop3A_338#0], %parallel_loop3A_338#12 {add = true} : memref<1024xf32, #tpu.memory_space<vmem>>[vector<16xi32>], vector<16xf32>,
      %add3A_339 = arith.constant 2 : i32
      %add3A_340 = arith.addi %add3A_113, %add3A_339 : i32
      %add3A_341 = arith.constant 2 : i32
      %add3A_342 = arith.addi %add3A_340, %add3A_341 : i32
      %lt3A_343 = arith.constant 72 : i32
      %lt3A_344 = arith.cmpi slt, %add3A_342, %lt3A_343 : i32
      %convert_element_type3A_345 = arith.extui %lt3A_344 : i1 to i32
      %cond3A_346 = arith.constant 0 : i32
      %cond3A_347 = arith.cmpi ne, %convert_element_type3A_345, %cond3A_346 : i32
      scf.if %cond3A_347 {
        %add3A_454 = arith.constant 2 : i32
        %add3A_455 = arith.addi %add3A_340, %add3A_454 : i32
        %mul3A_456 = arith.constant 2048 : i32
        %mul3A_457 = arith.muli %add3A_455, %mul3A_456 : i32
        %dma_start3A_458 = arith.constant 1 : i32
        %dma_start3A_459 = arith.constant 0 : i32
        %dma_start3A_460 = tpu.memref_slice %arg5[%dma_start3A_458, %dma_start3A_459] : memref<3x2048xi32, #tpu.memory_space<vmem>> -> memref<1x2048xi32, #tpu.memory_space<vmem>>
        %dma_start3A_461 = tpu.memref_squeeze %dma_start3A_460 : memref<1x2048xi32, #tpu.memory_space<vmem>> -> memref<2048xi32, #tpu.memory_space<vmem>>
        %dma_start3A_462 = tpu.memref_slice %arg3[%select_n3A, %mul3A_457] : memref<4x147456xi32, #tpu.memory_space<hbm>> -> memref<1x2048xi32, #tpu.memory_space<hbm>>
        %dma_start3A_463 = tpu.memref_squeeze %dma_start3A_462 : memref<1x2048xi32, #tpu.memory_space<hbm>> -> memref<2048xi32, #tpu.memory_space<hbm>>
        %dma_start3A_464 = arith.constant 0 : i32
        %dma_start3A_465 = tpu.memref_slice %arg5[%dma_start3A_458, %dma_start3A_464] : memref<3x2048xi32, #tpu.memory_space<vmem>> -> memref<1x2048xi32, #tpu.memory_space<vmem>>
        %dma_start3A_466 = tpu.memref_squeeze %dma_start3A_465 : memref<1x2048xi32, #tpu.memory_space<vmem>> -> memref<2048xi32, #tpu.memory_space<vmem>>
        %dma_start3A_467 = tpu.memref_slice %arg3[%select_n3A, %mul3A_457] : memref<4x147456xi32, #tpu.memory_space<hbm>> -> memref<1x2048xi32, #tpu.memory_space<hbm>>
        %dma_start3A_468 = tpu.memref_squeeze %dma_start3A_467 : memref<1x2048xi32, #tpu.memory_space<hbm>> -> memref<2048xi32, #tpu.memory_space<hbm>>
        tpu.enqueue_dma source(%dma_start3A_468 : memref<2048xi32, #tpu.memory_space<hbm>>) target(%dma_start3A_466 : memref<2048xi32, #tpu.memory_space<vmem>>) target_semaphore(%arg10 : memref<!tpu.dma_semaphore, #tpu.memory_space<semaphore_mem>>)
        %dma_start3A_469 = arith.constant 1 : i32
        %dma_start3A_470 = arith.constant 0 : i32
        %dma_start3A_471 = arith.constant 0 : i32
        %dma_start3A_472 = tpu.memref_slice %arg6[%dma_start3A_469, %dma_start3A_470, %dma_start3A_471] : memref<3x12x2048xf32, #tpu.memory_space<vmem>> -> memref<1x12x2048xf32, #tpu.memory_space<vmem>>
        %dma_start3A_473 = tpu.memref_squeeze %dma_start3A_472 : memref<1x12x2048xf32, #tpu.memory_space<vmem>> -> memref<12x2048xf32, #tpu.memory_space<vmem>>
        %dma_start3A_474 = tpu.memref_slice %arg2[%select_n3A, %mul3A_32, %mul3A_457] : memref<4x96x147456xf32, #tpu.memory_space<hbm>> -> memref<1x12x2048xf32, #tpu.memory_space<hbm>>
        %dma_start3A_475 = tpu.memref_squeeze %dma_start3A_474 : memref<1x12x2048xf32, #tpu.memory_space<hbm>> -> memref<12x2048xf32, #tpu.memory_space<hbm>>
        %dma_start3A_476 = arith.constant 0 : i32
        %dma_start3A_477 = arith.constant 0 : i32
        %dma_start3A_478 = tpu.memref_slice %arg6[%dma_start3A_469, %dma_start3A_476, %dma_start3A_477] : memref<3x12x2048xf32, #tpu.memory_space<vmem>> -> memref<1x12x2048xf32, #tpu.memory_space<vmem>>
        %dma_start3A_479 = tpu.memref_squeeze %dma_start3A_478 : memref<1x12x2048xf32, #tpu.memory_space<vmem>> -> memref<12x2048xf32, #tpu.memory_space<vmem>>
        %dma_start3A_480 = tpu.memref_slice %arg2[%select_n3A, %mul3A_32, %mul3A_457] : memref<4x96x147456xf32, #tpu.memory_space<hbm>> -> memref<1x12x2048xf32, #tpu.memory_space<hbm>>
        %dma_start3A_481 = tpu.memref_squeeze %dma_start3A_480 : memref<1x12x2048xf32, #tpu.memory_space<hbm>> -> memref<12x2048xf32, #tpu.memory_space<hbm>>
        tpu.enqueue_dma source(%dma_start3A_481 : memref<12x2048xf32, #tpu.memory_space<hbm>>) target(%dma_start3A_479 : memref<12x2048xf32, #tpu.memory_space<vmem>>) target_semaphore(%arg10 : memref<!tpu.dma_semaphore, #tpu.memory_space<semaphore_mem>>)
      } else {
      }
      %mul3A_348 = arith.constant 2048 : i32
      %mul3A_349 = arith.muli %add3A_340, %mul3A_348 : i32
      %dma_wait3A_350 = arith.constant 2 : i32
      %dma_wait3A_351 = arith.constant 0 : i32
      %dma_wait3A_352 = tpu.memref_slice %arg5[%dma_wait3A_350, %dma_wait3A_351] : memref<3x2048xi32, #tpu.memory_space<vmem>> -> memref<1x2048xi32, #tpu.memory_space<vmem>>
      %dma_wait3A_353 = tpu.memref_squeeze %dma_wait3A_352 : memref<1x2048xi32, #tpu.memory_space<vmem>> -> memref<2048xi32, #tpu.memory_space<vmem>>
      %dma_wait3A_354 = tpu.memref_slice %arg3[%select_n3A, %mul3A_349] : memref<4x147456xi32, #tpu.memory_space<hbm>> -> memref<1x2048xi32, #tpu.memory_space<hbm>>
      %dma_wait3A_355 = tpu.memref_squeeze %dma_wait3A_354 : memref<1x2048xi32, #tpu.memory_space<hbm>> -> memref<2048xi32, #tpu.memory_space<hbm>>
      %dma_wait3A_356 = arith.constant 0 : i32
      %dma_wait3A_357 = tpu.memref_slice %arg5[%dma_wait3A_350, %dma_wait3A_356] : memref<3x2048xi32, #tpu.memory_space<vmem>> -> memref<1x2048xi32, #tpu.memory_space<vmem>>
      %dma_wait3A_358 = tpu.memref_squeeze %dma_wait3A_357 : memref<1x2048xi32, #tpu.memory_space<vmem>> -> memref<2048xi32, #tpu.memory_space<vmem>>
      %dma_wait3A_359 = tpu.memref_slice %arg3[%select_n3A, %mul3A_349] : memref<4x147456xi32, #tpu.memory_space<hbm>> -> memref<1x2048xi32, #tpu.memory_space<hbm>>
      %dma_wait3A_360 = tpu.memref_squeeze %dma_wait3A_359 : memref<1x2048xi32, #tpu.memory_space<hbm>> -> memref<2048xi32, #tpu.memory_space<hbm>>
      tpu.wait_dma2 semaphore(%arg11 : memref<!tpu.dma_semaphore, #tpu.memory_space<semaphore_mem>>) src(%dma_wait3A_360 : memref<2048xi32, #tpu.memory_space<hbm>>) dst(%dma_wait3A_358 : memref<2048xi32, #tpu.memory_space<vmem>>)
      %dma_wait3A_361 = arith.constant 2 : i32
      %dma_wait3A_362 = arith.constant 0 : i32
      %dma_wait3A_363 = arith.constant 0 : i32
      %dma_wait3A_364 = tpu.memref_slice %arg6[%dma_wait3A_361, %dma_wait3A_362, %dma_wait3A_363] : memref<3x12x2048xf32, #tpu.memory_space<vmem>> -> memref<1x12x2048xf32, #tpu.memory_space<vmem>>
      %dma_wait3A_365 = tpu.memref_squeeze %dma_wait3A_364 : memref<1x12x2048xf32, #tpu.memory_space<vmem>> -> memref<12x2048xf32, #tpu.memory_space<vmem>>
      %dma_wait3A_366 = tpu.memref_slice %arg2[%select_n3A, %mul3A_32, %mul3A_349] : memref<4x96x147456xf32, #tpu.memory_space<hbm>> -> memref<1x12x2048xf32, #tpu.memory_space<hbm>>
      %dma_wait3A_367 = tpu.memref_squeeze %dma_wait3A_366 : memref<1x12x2048xf32, #tpu.memory_space<hbm>> -> memref<12x2048xf32, #tpu.memory_space<hbm>>
      %dma_wait3A_368 = arith.constant 0 : i32
      %dma_wait3A_369 = arith.constant 0 : i32
      %dma_wait3A_370 = tpu.memref_slice %arg6[%dma_wait3A_361, %dma_wait3A_368, %dma_wait3A_369] : memref<3x12x2048xf32, #tpu.memory_space<vmem>> -> memref<1x12x2048xf32, #tpu.memory_space<vmem>>
      %dma_wait3A_371 = tpu.memref_squeeze %dma_wait3A_370 : memref<1x12x2048xf32, #tpu.memory_space<vmem>> -> memref<12x2048xf32, #tpu.memory_space<vmem>>
      %dma_wait3A_372 = tpu.memref_slice %arg2[%select_n3A, %mul3A_32, %mul3A_349] : memref<4x96x147456xf32, #tpu.memory_space<hbm>> -> memref<1x12x2048xf32, #tpu.memory_space<hbm>>
      %dma_wait3A_373 = tpu.memref_squeeze %dma_wait3A_372 : memref<1x12x2048xf32, #tpu.memory_space<hbm>> -> memref<12x2048xf32, #tpu.memory_space<hbm>>
      tpu.wait_dma2 semaphore(%arg11 : memref<!tpu.dma_semaphore, #tpu.memory_space<semaphore_mem>>) src(%dma_wait3A_373 : memref<12x2048xf32, #tpu.memory_space<hbm>>) dst(%dma_wait3A_371 : memref<12x2048xf32, #tpu.memory_space<vmem>>)
      %get3A_374 = arith.constant 2 : i32
      %get3A_375 = arith.index_cast %get3A_374 : i32 to index
      %get3A_376 = arith.constant 0 : index
      %get3A_377 = tpu.vector_load %arg5[%get3A_375, %get3A_376] {strides = array<i32>} : memref<3x2048xi32, #tpu.memory_space<vmem>>, vector<16xi32>,
      %get3A_378 = arith.constant 2 : i32
      %get3A_379 = arith.constant 0 : i32
      %get3A_380 = arith.index_cast %get3A_378 : i32 to index
      %get3A_381 = arith.index_cast %get3A_379 : i32 to index
      %get3A_382 = arith.constant 0 : index
      %get3A_383 = tpu.vector_load %arg6[%get3A_380, %get3A_381, %get3A_382] {strides = array<i32>} : memref<3x12x2048xf32, #tpu.memory_space<vmem>>, vector<16xf32>,
      %get3A_384 = arith.constant 2 : i32
      %get3A_385 = arith.constant 1 : i32
      %get3A_386 = arith.index_cast %get3A_384 : i32 to index
      %get3A_387 = arith.index_cast %get3A_385 : i32 to index
      %get3A_388 = arith.constant 0 : index
      %get3A_389 = tpu.vector_load %arg6[%get3A_386, %get3A_387, %get3A_388] {strides = array<i32>} : memref<3x12x2048xf32, #tpu.memory_space<vmem>>, vector<16xf32>,
      %get3A_390 = arith.constant 2 : i32
      %get3A_391 = arith.constant 2 : i32
      %get3A_392 = arith.index_cast %get3A_390 : i32 to index
      %get3A_393 = arith.index_cast %get3A_391 : i32 to index
      %get3A_394 = arith.constant 0 : index
      %get3A_395 = tpu.vector_load %arg6[%get3A_392, %get3A_393, %get3A_394] {strides = array<i32>} : memref<3x12x2048xf32, #tpu.memory_space<vmem>>, vector<16xf32>,
      %get3A_396 = arith.constant 2 : i32
      %get3A_397 = arith.constant 3 : i32
      %get3A_398 = arith.index_cast %get3A_396 : i32 to index
      %get3A_399 = arith.index_cast %get3A_397 : i32 to index
      %get3A_400 = arith.constant 0 : index
      %get3A_401 = tpu.vector_load %arg6[%get3A_398, %get3A_399, %get3A_400] {strides = array<i32>} : memref<3x12x2048xf32, #tpu.memory_space<vmem>>, vector<16xf32>,
      %get3A_402 = arith.constant 2 : i32
      %get3A_403 = arith.constant 4 : i32
      %get3A_404 = arith.index_cast %get3A_402 : i32 to index
      %get3A_405 = arith.index_cast %get3A_403 : i32 to index
      %get3A_406 = arith.constant 0 : index
      %get3A_407 = tpu.vector_load %arg6[%get3A_404, %get3A_405, %get3A_406] {strides = array<i32>} : memref<3x12x2048xf32, #tpu.memory_space<vmem>>, vector<16xf32>,
      %get3A_408 = arith.constant 2 : i32
      %get3A_409 = arith.constant 5 : i32
      %get3A_410 = arith.index_cast %get3A_408 : i32 to index
      %get3A_411 = arith.index_cast %get3A_409 : i32 to index
      %get3A_412 = arith.constant 0 : index
      %get3A_413 = tpu.vector_load %arg6[%get3A_410, %get3A_411, %get3A_412] {strides = array<i32>} : memref<3x12x2048xf32, #tpu.memory_space<vmem>>, vector<16xf32>,
      %get3A_414 = arith.constant 2 : i32
      %get3A_415 = arith.constant 6 : i32
      %get3A_416 = arith.index_cast %get3A_414 : i32 to index
      %get3A_417 = arith.index_cast %get3A_415 : i32 to index
      %get3A_418 = arith.constant 0 : index
      %get3A_419 = tpu.vector_load %arg6[%get3A_416, %get3A_417, %get3A_418] {strides = array<i32>} : memref<3x12x2048xf32, #tpu.memory_space<vmem>>, vector<16xf32>,
      %get3A_420 = arith.constant 2 : i32
      %get3A_421 = arith.constant 7 : i32
      %get3A_422 = arith.index_cast %get3A_420 : i32 to index
      %get3A_423 = arith.index_cast %get3A_421 : i32 to index
      %get3A_424 = arith.constant 0 : index
      %get3A_425 = tpu.vector_load %arg6[%get3A_422, %get3A_423, %get3A_424] {strides = array<i32>} : memref<3x12x2048xf32, #tpu.memory_space<vmem>>, vector<16xf32>,
      %get3A_426 = arith.constant 2 : i32
      %get3A_427 = arith.constant 8 : i32
      %get3A_428 = arith.index_cast %get3A_426 : i32 to index
      %get3A_429 = arith.index_cast %get3A_427 : i32 to index
      %get3A_430 = arith.constant 0 : index
      %get3A_431 = tpu.vector_load %arg6[%get3A_428, %get3A_429, %get3A_430] {strides = array<i32>} : memref<3x12x2048xf32, #tpu.memory_space<vmem>>, vector<16xf32>,
      %get3A_432 = arith.constant 2 : i32
      %get3A_433 = arith.constant 9 : i32
      %get3A_434 = arith.index_cast %get3A_432 : i32 to index
      %get3A_435 = arith.index_cast %get3A_433 : i32 to index
      %get3A_436 = arith.constant 0 : index
      %get3A_437 = tpu.vector_load %arg6[%get3A_434, %get3A_435, %get3A_436] {strides = array<i32>} : memref<3x12x2048xf32, #tpu.memory_space<vmem>>, vector<16xf32>,
      %get3A_438 = arith.constant 2 : i32
      %get3A_439 = arith.constant 10 : i32
      %get3A_440 = arith.index_cast %get3A_438 : i32 to index
      %get3A_441 = arith.index_cast %get3A_439 : i32 to index
      %get3A_442 = arith.constant 0 : index
      %get3A_443 = tpu.vector_load %arg6[%get3A_440, %get3A_441, %get3A_442] {strides = array<i32>} : memref<3x12x2048xf32, #tpu.memory_space<vmem>>, vector<16xf32>,
      %get3A_444 = arith.constant 2 : i32
      %get3A_445 = arith.constant 11 : i32
      %get3A_446 = arith.index_cast %get3A_444 : i32 to index
      %get3A_447 = arith.index_cast %get3A_445 : i32 to index
      %get3A_448 = arith.constant 0 : index
      %get3A_449 = tpu.vector_load %arg6[%get3A_446, %get3A_447, %get3A_448] {strides = array<i32>} : memref<3x12x2048xf32, #tpu.memory_space<vmem>>, vector<16xf32>,
      %parallel_loop3A_450 = arith.constant 0 : i32
      %parallel_loop3A_451 = arith.constant 127 : i32
      %parallel_loop3A_452 = arith.constant 1 : i32
      %parallel_loop3A_453:13 = scf.for %parallel_loop3A_454 = %parallel_loop3A_450 to %parallel_loop3A_451 step %parallel_loop3A_452 iter_args(%parallel_loop3A_455 = %get3A_377, %parallel_loop3A_456 = %get3A_383, %parallel_loop3A_457 = %get3A_389, %parallel_loop3A_458 = %get3A_395, %parallel_loop3A_459 = %get3A_401, %parallel_loop3A_460 = %get3A_407, %parallel_loop3A_461 = %get3A_413, %parallel_loop3A_462 = %get3A_419, %parallel_loop3A_463 = %get3A_425, %parallel_loop3A_464 = %get3A_431, %parallel_loop3A_465 = %get3A_437, %parallel_loop3A_466 = %get3A_443, %parallel_loop3A_467 = %get3A_449) -> (vector<16xi32>, vector<16xf32>, vector<16xf32>, vector<16xf32>, vector<16xf32>, vector<16xf32>, vector<16xf32>, vector<16xf32>, vector<16xf32>, vector<16xf32>, vector<16xf32>, vector<16xf32>, vector<16xf32>)  : i32 {
        %parallel_loop3A_468 = arith.constant 1 : i32
        %parallel_loop3A_469 = arith.addi %parallel_loop3A_454, %parallel_loop3A_468 : i32
        %parallel_loop3A_470 = arith.constant 16 : i32
        %parallel_loop3A_471 = arith.muli %parallel_loop3A_469, %parallel_loop3A_470 : i32
        %parallel_loop3A_472 = arith.constant 2 : i32
        %parallel_loop3A_473 = arith.index_cast %parallel_loop3A_472 : i32 to index
        %parallel_loop3A_474 = arith.index_cast %parallel_loop3A_471 : i32 to index
        %parallel_loop3A_475 = tpu.vector_load %arg5[%parallel_loop3A_473, %parallel_loop3A_474] {strides = array<i32>} : memref<3x2048xi32, #tpu.memory_space<vmem>>, vector<16xi32>,
        %parallel_loop3A_476 = arith.constant 16 : i32
        %parallel_loop3A_477 = arith.muli %parallel_loop3A_469, %parallel_loop3A_476 : i32
        %parallel_loop3A_478 = arith.constant 2 : i32
        %parallel_loop3A_479 = arith.constant 0 : i32
        %parallel_loop3A_480 = arith.index_cast %parallel_loop3A_478 : i32 to index
        %parallel_loop3A_481 = arith.index_cast %parallel_loop3A_479 : i32 to index
        %parallel_loop3A_482 = arith.index_cast %parallel_loop3A_477 : i32 to index
        %parallel_loop3A_483 = tpu.vector_load %arg6[%parallel_loop3A_480, %parallel_loop3A_481, %parallel_loop3A_482] {strides = array<i32>} : memref<3x12x2048xf32, #tpu.memory_space<vmem>>, vector<16xf32>,
        %parallel_loop3A_484 = arith.constant 16 : i32
        %parallel_loop3A_485 = arith.muli %parallel_loop3A_469, %parallel_loop3A_484 : i32
        %parallel_loop3A_486 = arith.constant 2 : i32
        %parallel_loop3A_487 = arith.constant 1 : i32
        %parallel_loop3A_488 = arith.index_cast %parallel_loop3A_486 : i32 to index
        %parallel_loop3A_489 = arith.index_cast %parallel_loop3A_487 : i32 to index
        %parallel_loop3A_490 = arith.index_cast %parallel_loop3A_485 : i32 to index
        %parallel_loop3A_491 = tpu.vector_load %arg6[%parallel_loop3A_488, %parallel_loop3A_489, %parallel_loop3A_490] {strides = array<i32>} : memref<3x12x2048xf32, #tpu.memory_space<vmem>>, vector<16xf32>,
        %parallel_loop3A_492 = arith.constant 16 : i32
        %parallel_loop3A_493 = arith.muli %parallel_loop3A_469, %parallel_loop3A_492 : i32
        %parallel_loop3A_494 = arith.constant 2 : i32
        %parallel_loop3A_495 = arith.constant 2 : i32
        %parallel_loop3A_496 = arith.index_cast %parallel_loop3A_494 : i32 to index
        %parallel_loop3A_497 = arith.index_cast %parallel_loop3A_495 : i32 to index
        %parallel_loop3A_498 = arith.index_cast %parallel_loop3A_493 : i32 to index
        %parallel_loop3A_499 = tpu.vector_load %arg6[%parallel_loop3A_496, %parallel_loop3A_497, %parallel_loop3A_498] {strides = array<i32>} : memref<3x12x2048xf32, #tpu.memory_space<vmem>>, vector<16xf32>,
        %parallel_loop3A_500 = arith.constant 16 : i32
        %parallel_loop3A_501 = arith.muli %parallel_loop3A_469, %parallel_loop3A_500 : i32
        %parallel_loop3A_502 = arith.constant 2 : i32
        %parallel_loop3A_503 = arith.constant 3 : i32
        %parallel_loop3A_504 = arith.index_cast %parallel_loop3A_502 : i32 to index
        %parallel_loop3A_505 = arith.index_cast %parallel_loop3A_503 : i32 to index
        %parallel_loop3A_506 = arith.index_cast %parallel_loop3A_501 : i32 to index
        %parallel_loop3A_507 = tpu.vector_load %arg6[%parallel_loop3A_504, %parallel_loop3A_505, %parallel_loop3A_506] {strides = array<i32>} : memref<3x12x2048xf32, #tpu.memory_space<vmem>>, vector<16xf32>,
        %parallel_loop3A_508 = arith.constant 16 : i32
        %parallel_loop3A_509 = arith.muli %parallel_loop3A_469, %parallel_loop3A_508 : i32
        %parallel_loop3A_510 = arith.constant 2 : i32
        %parallel_loop3A_511 = arith.constant 4 : i32
        %parallel_loop3A_512 = arith.index_cast %parallel_loop3A_510 : i32 to index
        %parallel_loop3A_513 = arith.index_cast %parallel_loop3A_511 : i32 to index
        %parallel_loop3A_514 = arith.index_cast %parallel_loop3A_509 : i32 to index
        %parallel_loop3A_515 = tpu.vector_load %arg6[%parallel_loop3A_512, %parallel_loop3A_513, %parallel_loop3A_514] {strides = array<i32>} : memref<3x12x2048xf32, #tpu.memory_space<vmem>>, vector<16xf32>,
        %parallel_loop3A_516 = arith.constant 16 : i32
        %parallel_loop3A_517 = arith.muli %parallel_loop3A_469, %parallel_loop3A_516 : i32
        %parallel_loop3A_518 = arith.constant 2 : i32
        %parallel_loop3A_519 = arith.constant 5 : i32
        %parallel_loop3A_520 = arith.index_cast %parallel_loop3A_518 : i32 to index
        %parallel_loop3A_521 = arith.index_cast %parallel_loop3A_519 : i32 to index
        %parallel_loop3A_522 = arith.index_cast %parallel_loop3A_517 : i32 to index
        %parallel_loop3A_523 = tpu.vector_load %arg6[%parallel_loop3A_520, %parallel_loop3A_521, %parallel_loop3A_522] {strides = array<i32>} : memref<3x12x2048xf32, #tpu.memory_space<vmem>>, vector<16xf32>,
        %parallel_loop3A_524 = arith.constant 16 : i32
        %parallel_loop3A_525 = arith.muli %parallel_loop3A_469, %parallel_loop3A_524 : i32
        %parallel_loop3A_526 = arith.constant 2 : i32
        %parallel_loop3A_527 = arith.constant 6 : i32
        %parallel_loop3A_528 = arith.index_cast %parallel_loop3A_526 : i32 to index
        %parallel_loop3A_529 = arith.index_cast %parallel_loop3A_527 : i32 to index
        %parallel_loop3A_530 = arith.index_cast %parallel_loop3A_525 : i32 to index
        %parallel_loop3A_531 = tpu.vector_load %arg6[%parallel_loop3A_528, %parallel_loop3A_529, %parallel_loop3A_530] {strides = array<i32>} : memref<3x12x2048xf32, #tpu.memory_space<vmem>>, vector<16xf32>,
        %parallel_loop3A_532 = arith.constant 16 : i32
        %parallel_loop3A_533 = arith.muli %parallel_loop3A_469, %parallel_loop3A_532 : i32
        %parallel_loop3A_534 = arith.constant 2 : i32
        %parallel_loop3A_535 = arith.constant 7 : i32
        %parallel_loop3A_536 = arith.index_cast %parallel_loop3A_534 : i32 to index
        %parallel_loop3A_537 = arith.index_cast %parallel_loop3A_535 : i32 to index
        %parallel_loop3A_538 = arith.index_cast %parallel_loop3A_533 : i32 to index
        %parallel_loop3A_539 = tpu.vector_load %arg6[%parallel_loop3A_536, %parallel_loop3A_537, %parallel_loop3A_538] {strides = array<i32>} : memref<3x12x2048xf32, #tpu.memory_space<vmem>>, vector<16xf32>,
        %parallel_loop3A_540 = arith.constant 16 : i32
        %parallel_loop3A_541 = arith.muli %parallel_loop3A_469, %parallel_loop3A_540 : i32
        %parallel_loop3A_542 = arith.constant 2 : i32
        %parallel_loop3A_543 = arith.constant 8 : i32
        %parallel_loop3A_544 = arith.index_cast %parallel_loop3A_542 : i32 to index
        %parallel_loop3A_545 = arith.index_cast %parallel_loop3A_543 : i32 to index
        %parallel_loop3A_546 = arith.index_cast %parallel_loop3A_541 : i32 to index
        %parallel_loop3A_547 = tpu.vector_load %arg6[%parallel_loop3A_544, %parallel_loop3A_545, %parallel_loop3A_546] {strides = array<i32>} : memref<3x12x2048xf32, #tpu.memory_space<vmem>>, vector<16xf32>,
        %parallel_loop3A_548 = arith.constant 16 : i32
        %parallel_loop3A_549 = arith.muli %parallel_loop3A_469, %parallel_loop3A_548 : i32
        %parallel_loop3A_550 = arith.constant 2 : i32
        %parallel_loop3A_551 = arith.constant 9 : i32
        %parallel_loop3A_552 = arith.index_cast %parallel_loop3A_550 : i32 to index
        %parallel_loop3A_553 = arith.index_cast %parallel_loop3A_551 : i32 to index
        %parallel_loop3A_554 = arith.index_cast %parallel_loop3A_549 : i32 to index
        %parallel_loop3A_555 = tpu.vector_load %arg6[%parallel_loop3A_552, %parallel_loop3A_553, %parallel_loop3A_554] {strides = array<i32>} : memref<3x12x2048xf32, #tpu.memory_space<vmem>>, vector<16xf32>,
        %parallel_loop3A_556 = arith.constant 16 : i32
        %parallel_loop3A_557 = arith.muli %parallel_loop3A_469, %parallel_loop3A_556 : i32
        %parallel_loop3A_558 = arith.constant 2 : i32
        %parallel_loop3A_559 = arith.constant 10 : i32
        %parallel_loop3A_560 = arith.index_cast %parallel_loop3A_558 : i32 to index
        %parallel_loop3A_561 = arith.index_cast %parallel_loop3A_559 : i32 to index
        %parallel_loop3A_562 = arith.index_cast %parallel_loop3A_557 : i32 to index
        %parallel_loop3A_563 = tpu.vector_load %arg6[%parallel_loop3A_560, %parallel_loop3A_561, %parallel_loop3A_562] {strides = array<i32>} : memref<3x12x2048xf32, #tpu.memory_space<vmem>>, vector<16xf32>,
        %parallel_loop3A_564 = arith.constant 16 : i32
        %parallel_loop3A_565 = arith.muli %parallel_loop3A_469, %parallel_loop3A_564 : i32
        %parallel_loop3A_566 = arith.constant 2 : i32
        %parallel_loop3A_567 = arith.constant 11 : i32
        %parallel_loop3A_568 = arith.index_cast %parallel_loop3A_566 : i32 to index
        %parallel_loop3A_569 = arith.index_cast %parallel_loop3A_567 : i32 to index
        %parallel_loop3A_570 = arith.index_cast %parallel_loop3A_565 : i32 to index
        %parallel_loop3A_571 = tpu.vector_load %arg6[%parallel_loop3A_568, %parallel_loop3A_569, %parallel_loop3A_570] {strides = array<i32>} : memref<3x12x2048xf32, #tpu.memory_space<vmem>>, vector<16xf32>,
        tpu.vector_store_idx %arg8[%parallel_loop3A_455], %broadcast_in_dim3A_35 {add = true} : memref<1024xf32, #tpu.memory_space<vmem>>[vector<16xi32>], vector<16xf32>,
        tpu.vector_store_idx %arg12[%parallel_loop3A_455], %parallel_loop3A_456 {add = true} : memref<1024xf32, #tpu.memory_space<vmem>>[vector<16xi32>], vector<16xf32>,
        tpu.vector_store_idx %arg13[%parallel_loop3A_455], %parallel_loop3A_457 {add = true} : memref<1024xf32, #tpu.memory_space<vmem>>[vector<16xi32>], vector<16xf32>,
        tpu.vector_store_idx %arg14[%parallel_loop3A_455], %parallel_loop3A_458 {add = true} : memref<1024xf32, #tpu.memory_space<vmem>>[vector<16xi32>], vector<16xf32>,
        tpu.vector_store_idx %arg15[%parallel_loop3A_455], %parallel_loop3A_459 {add = true} : memref<1024xf32, #tpu.memory_space<vmem>>[vector<16xi32>], vector<16xf32>,
        tpu.vector_store_idx %arg16[%parallel_loop3A_455], %parallel_loop3A_460 {add = true} : memref<1024xf32, #tpu.memory_space<vmem>>[vector<16xi32>], vector<16xf32>,
        tpu.vector_store_idx %arg17[%parallel_loop3A_455], %parallel_loop3A_461 {add = true} : memref<1024xf32, #tpu.memory_space<vmem>>[vector<16xi32>], vector<16xf32>,
        tpu.vector_store_idx %arg18[%parallel_loop3A_455], %parallel_loop3A_462 {add = true} : memref<1024xf32, #tpu.memory_space<vmem>>[vector<16xi32>], vector<16xf32>,
        tpu.vector_store_idx %arg19[%parallel_loop3A_455], %parallel_loop3A_463 {add = true} : memref<1024xf32, #tpu.memory_space<vmem>>[vector<16xi32>], vector<16xf32>,
        tpu.vector_store_idx %arg20[%parallel_loop3A_455], %parallel_loop3A_464 {add = true} : memref<1024xf32, #tpu.memory_space<vmem>>[vector<16xi32>], vector<16xf32>,
        tpu.vector_store_idx %arg21[%parallel_loop3A_455], %parallel_loop3A_465 {add = true} : memref<1024xf32, #tpu.memory_space<vmem>>[vector<16xi32>], vector<16xf32>,
        tpu.vector_store_idx %arg22[%parallel_loop3A_455], %parallel_loop3A_466 {add = true} : memref<1024xf32, #tpu.memory_space<vmem>>[vector<16xi32>], vector<16xf32>,
        tpu.vector_store_idx %arg23[%parallel_loop3A_455], %parallel_loop3A_467 {add = true} : memref<1024xf32, #tpu.memory_space<vmem>>[vector<16xi32>], vector<16xf32>,
        scf.yield %parallel_loop3A_475, %parallel_loop3A_483, %parallel_loop3A_491, %parallel_loop3A_499, %parallel_loop3A_507, %parallel_loop3A_515, %parallel_loop3A_523, %parallel_loop3A_531, %parallel_loop3A_539, %parallel_loop3A_547, %parallel_loop3A_555, %parallel_loop3A_563, %parallel_loop3A_571 : vector<16xi32>, vector<16xf32>, vector<16xf32>, vector<16xf32>, vector<16xf32>, vector<16xf32>, vector<16xf32>, vector<16xf32>, vector<16xf32>, vector<16xf32>, vector<16xf32>, vector<16xf32>, vector<16xf32>
      } {sc.loop_unroll_factor = 4 : i64, sc.parallel_access}
      tpu.vector_store_idx %arg8[%parallel_loop3A_453#0], %broadcast_in_dim3A_35 {add = true} : memref<1024xf32, #tpu.memory_space<vmem>>[vector<16xi32>], vector<16xf32>,
      tpu.vector_store_idx %arg12[%parallel_loop3A_453#0], %parallel_loop3A_453#1 {add = true} : memref<1024xf32, #tpu.memory_space<vmem>>[vector<16xi32>], vector<16xf32>,
      tpu.vector_store_idx %arg13[%parallel_loop3A_453#0], %parallel_loop3A_453#2 {add = true} : memref<1024xf32, #tpu.memory_space<vmem>>[vector<16xi32>], vector<16xf32>,
      tpu.vector_store_idx %arg14[%parallel_loop3A_453#0], %parallel_loop3A_453#3 {add = true} : memref<1024xf32, #tpu.memory_space<vmem>>[vector<16xi32>], vector<16xf32>,
      tpu.vector_store_idx %arg15[%parallel_loop3A_453#0], %parallel_loop3A_453#4 {add = true} : memref<1024xf32, #tpu.memory_space<vmem>>[vector<16xi32>], vector<16xf32>,
      tpu.vector_store_idx %arg16[%parallel_loop3A_453#0], %parallel_loop3A_453#5 {add = true} : memref<1024xf32, #tpu.memory_space<vmem>>[vector<16xi32>], vector<16xf32>,
      tpu.vector_store_idx %arg17[%parallel_loop3A_453#0], %parallel_loop3A_453#6 {add = true} : memref<1024xf32, #tpu.memory_space<vmem>>[vector<16xi32>], vector<16xf32>,
      tpu.vector_store_idx %arg18[%parallel_loop3A_453#0], %parallel_loop3A_453#7 {add = true} : memref<1024xf32, #tpu.memory_space<vmem>>[vector<16xi32>], vector<16xf32>,
      tpu.vector_store_idx %arg19[%parallel_loop3A_453#0], %parallel_loop3A_453#8 {add = true} : memref<1024xf32, #tpu.memory_space<vmem>>[vector<16xi32>], vector<16xf32>,
      tpu.vector_store_idx %arg20[%parallel_loop3A_453#0], %parallel_loop3A_453#9 {add = true} : memref<1024xf32, #tpu.memory_space<vmem>>[vector<16xi32>], vector<16xf32>,
      tpu.vector_store_idx %arg21[%parallel_loop3A_453#0], %parallel_loop3A_453#10 {add = true} : memref<1024xf32, #tpu.memory_space<vmem>>[vector<16xi32>], vector<16xf32>,
      tpu.vector_store_idx %arg22[%parallel_loop3A_453#0], %parallel_loop3A_453#11 {add = true} : memref<1024xf32, #tpu.memory_space<vmem>>[vector<16xi32>], vector<16xf32>,
      tpu.vector_store_idx %arg23[%parallel_loop3A_453#0], %parallel_loop3A_453#12 {add = true} : memref<1024xf32, #tpu.memory_space<vmem>>[vector<16xi32>], vector<16xf32>,
    }
    %scan3A_101 = arith.constant 24 : i32
    %scan3A_102 = arith.constant 0 : i32
    %scan3A_103 = arith.constant 0 : i32
    %scan3A_104 = arith.constant 64 : i32
    %scan3A_105 = arith.addi %scan3A_103, %scan3A_104 : i32
    %scan3A_106 = arith.constant 1 : i32
    %scan3A_107 = scf.for %scan3A_109 = %scan3A_103 to %scan3A_105 step %scan3A_106 iter_args(%scan3A_110 = %scan3A_102) -> (i32)  : i32 {
      %mul3A_111 = arith.constant 16 : i32
      %mul3A_112 = arith.muli %scan3A_109, %mul3A_111 : i32
      %get3A = arith.index_cast %mul3A_112 : i32 to index
      %get3A_113 = tpu.vector_load %arg8[%get3A] {strides = array<i32>} : memref<1024xf32, #tpu.memory_space<vmem>>, vector<16xf32>,
      %max3A = arith.constant 1.000000e+00 : f32
      %max3A_114 = vector.broadcast %max3A : f32 to vector<16xf32>
      %max3A_115 = arith.maximumf %get3A_113, %max3A_114 : vector<16xf32>
      %div3A_116 = arith.constant 1.000000e+00 : f32
      %div3A_117 = vector.broadcast %div3A_116 : f32 to vector<16xf32>
      %div3A_118 = arith.divf %div3A_117, %max3A_115 : vector<16xf32>
      %mul3A_119 = arith.constant 16 : i32
      %mul3A_120 = arith.muli %scan3A_109, %mul3A_119 : i32
      %get3A_121 = arith.index_cast %mul3A_120 : i32 to index
      %get3A_122 = tpu.vector_load %arg12[%get3A_121] {strides = array<i32>} : memref<1024xf32, #tpu.memory_space<vmem>>, vector<16xf32>,
      %mul3A_123 = arith.mulf %get3A_122, %div3A_118 : vector<16xf32>
      %mul3A_124 = arith.constant 16 : i32
      %mul3A_125 = arith.muli %scan3A_109, %mul3A_124 : i32
      %swap3A = arith.constant 0 : i32
      %swap3A_126 = arith.index_cast %swap3A : i32 to index
      %swap3A_127 = arith.index_cast %mul3A_125 : i32 to index
      %swap3A_128 = tpu.vector_load %arg7[%swap3A_126, %swap3A_127] {strides = array<i32>} : memref<12x1024xf32, #tpu.memory_space<vmem>>, vector<16xf32>,
      tpu.vector_store %arg7[%swap3A_126, %swap3A_127], %mul3A_123 {strides = array<i32>} : memref<12x1024xf32, #tpu.memory_space<vmem>>, vector<16xf32>,
      %mul3A_129 = arith.constant 16 : i32
      %mul3A_130 = arith.muli %scan3A_109, %mul3A_129 : i32
      %get3A_131 = arith.index_cast %mul3A_130 : i32 to index
      %get3A_132 = tpu.vector_load %arg13[%get3A_131] {strides = array<i32>} : memref<1024xf32, #tpu.memory_space<vmem>>, vector<16xf32>,
      %mul3A_133 = arith.mulf %get3A_132, %div3A_118 : vector<16xf32>
      %mul3A_134 = arith.constant 16 : i32
      %mul3A_135 = arith.muli %scan3A_109, %mul3A_134 : i32
      %swap3A_136 = arith.constant 1 : i32
      %swap3A_137 = arith.index_cast %swap3A_136 : i32 to index
      %swap3A_138 = arith.index_cast %mul3A_135 : i32 to index
      %swap3A_139 = tpu.vector_load %arg7[%swap3A_137, %swap3A_138] {strides = array<i32>} : memref<12x1024xf32, #tpu.memory_space<vmem>>, vector<16xf32>,
      tpu.vector_store %arg7[%swap3A_137, %swap3A_138], %mul3A_133 {strides = array<i32>} : memref<12x1024xf32, #tpu.memory_space<vmem>>, vector<16xf32>,
      %mul3A_140 = arith.constant 16 : i32
      %mul3A_141 = arith.muli %scan3A_109, %mul3A_140 : i32
      %get3A_142 = arith.index_cast %mul3A_141 : i32 to index
      %get3A_143 = tpu.vector_load %arg14[%get3A_142] {strides = array<i32>} : memref<1024xf32, #tpu.memory_space<vmem>>, vector<16xf32>,
      %mul3A_144 = arith.mulf %get3A_143, %div3A_118 : vector<16xf32>
      %mul3A_145 = arith.constant 16 : i32
      %mul3A_146 = arith.muli %scan3A_109, %mul3A_145 : i32
      %swap3A_147 = arith.constant 2 : i32
      %swap3A_148 = arith.index_cast %swap3A_147 : i32 to index
      %swap3A_149 = arith.index_cast %mul3A_146 : i32 to index
      %swap3A_150 = tpu.vector_load %arg7[%swap3A_148, %swap3A_149] {strides = array<i32>} : memref<12x1024xf32, #tpu.memory_space<vmem>>, vector<16xf32>,
      tpu.vector_store %arg7[%swap3A_148, %swap3A_149], %mul3A_144 {strides = array<i32>} : memref<12x1024xf32, #tpu.memory_space<vmem>>, vector<16xf32>,
      %mul3A_151 = arith.constant 16 : i32
      %mul3A_152 = arith.muli %scan3A_109, %mul3A_151 : i32
      %get3A_153 = arith.index_cast %mul3A_152 : i32 to index
      %get3A_154 = tpu.vector_load %arg15[%get3A_153] {strides = array<i32>} : memref<1024xf32, #tpu.memory_space<vmem>>, vector<16xf32>,
      %mul3A_155 = arith.mulf %get3A_154, %div3A_118 : vector<16xf32>
      %mul3A_156 = arith.constant 16 : i32
      %mul3A_157 = arith.muli %scan3A_109, %mul3A_156 : i32
      %swap3A_158 = arith.constant 3 : i32
      %swap3A_159 = arith.index_cast %swap3A_158 : i32 to index
      %swap3A_160 = arith.index_cast %mul3A_157 : i32 to index
      %swap3A_161 = tpu.vector_load %arg7[%swap3A_159, %swap3A_160] {strides = array<i32>} : memref<12x1024xf32, #tpu.memory_space<vmem>>, vector<16xf32>,
      tpu.vector_store %arg7[%swap3A_159, %swap3A_160], %mul3A_155 {strides = array<i32>} : memref<12x1024xf32, #tpu.memory_space<vmem>>, vector<16xf32>,
      %mul3A_162 = arith.constant 16 : i32
      %mul3A_163 = arith.muli %scan3A_109, %mul3A_162 : i32
      %get3A_164 = arith.index_cast %mul3A_163 : i32 to index
      %get3A_165 = tpu.vector_load %arg16[%get3A_164] {strides = array<i32>} : memref<1024xf32, #tpu.memory_space<vmem>>, vector<16xf32>,
      %mul3A_166 = arith.mulf %get3A_165, %div3A_118 : vector<16xf32>
      %mul3A_167 = arith.constant 16 : i32
      %mul3A_168 = arith.muli %scan3A_109, %mul3A_167 : i32
      %swap3A_169 = arith.constant 4 : i32
      %swap3A_170 = arith.index_cast %swap3A_169 : i32 to index
      %swap3A_171 = arith.index_cast %mul3A_168 : i32 to index
      %swap3A_172 = tpu.vector_load %arg7[%swap3A_170, %swap3A_171] {strides = array<i32>} : memref<12x1024xf32, #tpu.memory_space<vmem>>, vector<16xf32>,
      tpu.vector_store %arg7[%swap3A_170, %swap3A_171], %mul3A_166 {strides = array<i32>} : memref<12x1024xf32, #tpu.memory_space<vmem>>, vector<16xf32>,
      %mul3A_173 = arith.constant 16 : i32
      %mul3A_174 = arith.muli %scan3A_109, %mul3A_173 : i32
      %get3A_175 = arith.index_cast %mul3A_174 : i32 to index
      %get3A_176 = tpu.vector_load %arg17[%get3A_175] {strides = array<i32>} : memref<1024xf32, #tpu.memory_space<vmem>>, vector<16xf32>,
      %mul3A_177 = arith.mulf %get3A_176, %div3A_118 : vector<16xf32>
      %mul3A_178 = arith.constant 16 : i32
      %mul3A_179 = arith.muli %scan3A_109, %mul3A_178 : i32
      %swap3A_180 = arith.constant 5 : i32
      %swap3A_181 = arith.index_cast %swap3A_180 : i32 to index
      %swap3A_182 = arith.index_cast %mul3A_179 : i32 to index
      %swap3A_183 = tpu.vector_load %arg7[%swap3A_181, %swap3A_182] {strides = array<i32>} : memref<12x1024xf32, #tpu.memory_space<vmem>>, vector<16xf32>,
      tpu.vector_store %arg7[%swap3A_181, %swap3A_182], %mul3A_177 {strides = array<i32>} : memref<12x1024xf32, #tpu.memory_space<vmem>>, vector<16xf32>,
      %mul3A_184 = arith.constant 16 : i32
      %mul3A_185 = arith.muli %scan3A_109, %mul3A_184 : i32
      %get3A_186 = arith.index_cast %mul3A_185 : i32 to index
      %get3A_187 = tpu.vector_load %arg18[%get3A_186] {strides = array<i32>} : memref<1024xf32, #tpu.memory_space<vmem>>, vector<16xf32>,
      %mul3A_188 = arith.mulf %get3A_187, %div3A_118 : vector<16xf32>
      %mul3A_189 = arith.constant 16 : i32
      %mul3A_190 = arith.muli %scan3A_109, %mul3A_189 : i32
      %swap3A_191 = arith.constant 6 : i32
      %swap3A_192 = arith.index_cast %swap3A_191 : i32 to index
      %swap3A_193 = arith.index_cast %mul3A_190 : i32 to index
      %swap3A_194 = tpu.vector_load %arg7[%swap3A_192, %swap3A_193] {strides = array<i32>} : memref<12x1024xf32, #tpu.memory_space<vmem>>, vector<16xf32>,
      tpu.vector_store %arg7[%swap3A_192, %swap3A_193], %mul3A_188 {strides = array<i32>} : memref<12x1024xf32, #tpu.memory_space<vmem>>, vector<16xf32>,
      %mul3A_195 = arith.constant 16 : i32
      %mul3A_196 = arith.muli %scan3A_109, %mul3A_195 : i32
      %get3A_197 = arith.index_cast %mul3A_196 : i32 to index
      %get3A_198 = tpu.vector_load %arg19[%get3A_197] {strides = array<i32>} : memref<1024xf32, #tpu.memory_space<vmem>>, vector<16xf32>,
      %mul3A_199 = arith.mulf %get3A_198, %div3A_118 : vector<16xf32>
      %mul3A_200 = arith.constant 16 : i32
      %mul3A_201 = arith.muli %scan3A_109, %mul3A_200 : i32
      %swap3A_202 = arith.constant 7 : i32
      %swap3A_203 = arith.index_cast %swap3A_202 : i32 to index
      %swap3A_204 = arith.index_cast %mul3A_201 : i32 to index
      %swap3A_205 = tpu.vector_load %arg7[%swap3A_203, %swap3A_204] {strides = array<i32>} : memref<12x1024xf32, #tpu.memory_space<vmem>>, vector<16xf32>,
      tpu.vector_store %arg7[%swap3A_203, %swap3A_204], %mul3A_199 {strides = array<i32>} : memref<12x1024xf32, #tpu.memory_space<vmem>>, vector<16xf32>,
      %mul3A_206 = arith.constant 16 : i32
      %mul3A_207 = arith.muli %scan3A_109, %mul3A_206 : i32
      %get3A_208 = arith.index_cast %mul3A_207 : i32 to index
      %get3A_209 = tpu.vector_load %arg20[%get3A_208] {strides = array<i32>} : memref<1024xf32, #tpu.memory_space<vmem>>, vector<16xf32>,
      %mul3A_210 = arith.mulf %get3A_209, %div3A_118 : vector<16xf32>
      %mul3A_211 = arith.constant 16 : i32
      %mul3A_212 = arith.muli %scan3A_109, %mul3A_211 : i32
      %swap3A_213 = arith.constant 8 : i32
      %swap3A_214 = arith.index_cast %swap3A_213 : i32 to index
      %swap3A_215 = arith.index_cast %mul3A_212 : i32 to index
      %swap3A_216 = tpu.vector_load %arg7[%swap3A_214, %swap3A_215] {strides = array<i32>} : memref<12x1024xf32, #tpu.memory_space<vmem>>, vector<16xf32>,
      tpu.vector_store %arg7[%swap3A_214, %swap3A_215], %mul3A_210 {strides = array<i32>} : memref<12x1024xf32, #tpu.memory_space<vmem>>, vector<16xf32>,
      %mul3A_217 = arith.constant 16 : i32
      %mul3A_218 = arith.muli %scan3A_109, %mul3A_217 : i32
      %get3A_219 = arith.index_cast %mul3A_218 : i32 to index
      %get3A_220 = tpu.vector_load %arg21[%get3A_219] {strides = array<i32>} : memref<1024xf32, #tpu.memory_space<vmem>>, vector<16xf32>,
      %mul3A_221 = arith.mulf %get3A_220, %div3A_118 : vector<16xf32>
      %mul3A_222 = arith.constant 16 : i32
      %mul3A_223 = arith.muli %scan3A_109, %mul3A_222 : i32
      %swap3A_224 = arith.constant 9 : i32
      %swap3A_225 = arith.index_cast %swap3A_224 : i32 to index
      %swap3A_226 = arith.index_cast %mul3A_223 : i32 to index
      %swap3A_227 = tpu.vector_load %arg7[%swap3A_225, %swap3A_226] {strides = array<i32>} : memref<12x1024xf32, #tpu.memory_space<vmem>>, vector<16xf32>,
      tpu.vector_store %arg7[%swap3A_225, %swap3A_226], %mul3A_221 {strides = array<i32>} : memref<12x1024xf32, #tpu.memory_space<vmem>>, vector<16xf32>,
      %mul3A_228 = arith.constant 16 : i32
      %mul3A_229 = arith.muli %scan3A_109, %mul3A_228 : i32
      %get3A_230 = arith.index_cast %mul3A_229 : i32 to index
      %get3A_231 = tpu.vector_load %arg22[%get3A_230] {strides = array<i32>} : memref<1024xf32, #tpu.memory_space<vmem>>, vector<16xf32>,
      %mul3A_232 = arith.mulf %get3A_231, %div3A_118 : vector<16xf32>
      %mul3A_233 = arith.constant 16 : i32
      %mul3A_234 = arith.muli %scan3A_109, %mul3A_233 : i32
      %swap3A_235 = arith.constant 10 : i32
      %swap3A_236 = arith.index_cast %swap3A_235 : i32 to index
      %swap3A_237 = arith.index_cast %mul3A_234 : i32 to index
      %swap3A_238 = tpu.vector_load %arg7[%swap3A_236, %swap3A_237] {strides = array<i32>} : memref<12x1024xf32, #tpu.memory_space<vmem>>, vector<16xf32>,
      tpu.vector_store %arg7[%swap3A_236, %swap3A_237], %mul3A_232 {strides = array<i32>} : memref<12x1024xf32, #tpu.memory_space<vmem>>, vector<16xf32>,
      %mul3A_239 = arith.constant 16 : i32
      %mul3A_240 = arith.muli %scan3A_109, %mul3A_239 : i32
      %get3A_241 = arith.index_cast %mul3A_240 : i32 to index
      %get3A_242 = tpu.vector_load %arg23[%get3A_241] {strides = array<i32>} : memref<1024xf32, #tpu.memory_space<vmem>>, vector<16xf32>,
      %mul3A_243 = arith.mulf %get3A_242, %div3A_118 : vector<16xf32>
      %mul3A_244 = arith.constant 16 : i32
      %mul3A_245 = arith.muli %scan3A_109, %mul3A_244 : i32
      %swap3A_246 = arith.constant 11 : i32
      %swap3A_247 = arith.index_cast %swap3A_246 : i32 to index
      %swap3A_248 = arith.index_cast %mul3A_245 : i32 to index
      %swap3A_249 = tpu.vector_load %arg7[%swap3A_247, %swap3A_248] {strides = array<i32>} : memref<12x1024xf32, #tpu.memory_space<vmem>>, vector<16xf32>,
      tpu.vector_store %arg7[%swap3A_247, %swap3A_248], %mul3A_243 {strides = array<i32>} : memref<12x1024xf32, #tpu.memory_space<vmem>>, vector<16xf32>,
      %scan3A_250 = arith.constant 0 : i32
      scf.yield %scan3A_250 : i32
    }
    %scan3A_108 = arith.constant 64 : i32
    "tpu.region"() ({
      %run_scoped3A = tpu.sem_alloc : memref<!tpu.dma_semaphore, #tpu.memory_space<semaphore_mem>>
      %dma_start3A_109 = arith.constant 0 : i32
      %dma_start3A_110 = tpu.memref_slice %arg4[%select_n3A, %mul3A_32, %dma_start3A_109] : memref<4x96x1024xf32, #tpu.memory_space<hbm>> -> memref<1x12x1024xf32, #tpu.memory_space<hbm>>
      %dma_start3A_111 = tpu.memref_squeeze %dma_start3A_110 : memref<1x12x1024xf32, #tpu.memory_space<hbm>> -> memref<12x1024xf32, #tpu.memory_space<hbm>>
      %dma_start3A_112 = arith.constant 0 : i32
      %dma_start3A_113 = tpu.memref_slice %arg4[%select_n3A, %mul3A_32, %dma_start3A_112] : memref<4x96x1024xf32, #tpu.memory_space<hbm>> -> memref<1x12x1024xf32, #tpu.memory_space<hbm>>
      %dma_start3A_114 = tpu.memref_squeeze %dma_start3A_113 : memref<1x12x1024xf32, #tpu.memory_space<hbm>> -> memref<12x1024xf32, #tpu.memory_space<hbm>>
      tpu.enqueue_dma source(%arg7 : memref<12x1024xf32, #tpu.memory_space<vmem>>) target(%dma_start3A_114 : memref<12x1024xf32, #tpu.memory_space<hbm>>) target_semaphore(%run_scoped3A : memref<!tpu.dma_semaphore, #tpu.memory_space<semaphore_mem>>)
      %dma_wait3A = arith.constant 0 : i32
      %dma_wait3A_115 = tpu.memref_slice %arg4[%select_n3A, %mul3A_32, %dma_wait3A] : memref<4x96x1024xf32, #tpu.memory_space<hbm>> -> memref<1x12x1024xf32, #tpu.memory_space<hbm>>
      %dma_wait3A_116 = tpu.memref_squeeze %dma_wait3A_115 : memref<1x12x1024xf32, #tpu.memory_space<hbm>> -> memref<12x1024xf32, #tpu.memory_space<hbm>>
      %dma_wait3A_117 = arith.constant 0 : i32
      %dma_wait3A_118 = tpu.memref_slice %arg4[%select_n3A, %mul3A_32, %dma_wait3A_117] : memref<4x96x1024xf32, #tpu.memory_space<hbm>> -> memref<1x12x1024xf32, #tpu.memory_space<hbm>>
      %dma_wait3A_119 = tpu.memref_squeeze %dma_wait3A_118 : memref<1x12x1024xf32, #tpu.memory_space<hbm>> -> memref<12x1024xf32, #tpu.memory_space<hbm>>
      tpu.wait_dma2 semaphore(%run_scoped3A : memref<!tpu.dma_semaphore, #tpu.memory_space<semaphore_mem>>) src(%arg7 : memref<12x1024xf32, #tpu.memory_space<vmem>>) dst(%dma_wait3A_119 : memref<12x1024xf32, #tpu.memory_space<hbm>>)
      tpu.yield
    }) : () -> ()
    return
  }
}

</mosaic_0001>

<sc_bundles>
// kernel: kernel.3.cloned.1.call-start
scs
__scs_entry_jumppad:
0x0: {  	(pc) =	sbr.rel $0x88, $3  }
0x1: {  	(tag) =	ssettag $0x0;
	lr =	simm.s32 $0x1  }
0x2: {  	[smem:$0x3F9F] =	sst lr;
	_ =	strace $0xD0000000  }
0x3: {  	_ = 	snop  }
0x4: {  	_ = 	snop  }
0x5: {  	_ = 	snop  }
0x6: {  	_ = 	snop  }
0x7: {  	_ = 	snop  }
__scs_overlays_trampoline_lowered:
0x8: {  	[smem:$0x3FAE] =	sst s0  }
0x9: {  	[smem:$0x3FAF] =	sst s1  }
0xa: {  	[smem:$0x3FB0] =	sst s2  }
0xb: {  	[smem:$0x3FB1] =	sst s3  }
0xc: {  	[smem:$0x3FB2] =	sst s4  }
0xd: {  	[smem:$0x3FB3] =	sst s5  }
0xe: {  	[smem:$0x3FB4] =	sst s6  }
0xf: {  	[smem:$0x3FB5] =	sst s7  }
0x10: {  	[smem:$0x3FB6] =	sst s8  }
0x11: {  	[smem:$0x3FB7] =	sst s9;
	s0 =	simm.s32 @!p0 $0x0  }
0x12: {  	s1 =	sld [smem:$0x3F9D];
	s0 =	simm.s32 @p0 $0x1  }
0x13: {  	[smem:$0x3FB8] =	sst s0;
	s0 =	simm.s32 @!p1 $0x0  }
0x14: {  	s2 =	sld [smem:$0x3F9C];
	s0 =	simm.s32 @p1 $0x1  }
0x15: {  	[smem:$0x3FB9] =	sst s0;
	s0 =	simm.s32 @!p2 $0x0  }
0x16: {  	s3 =	sld [smem:$0x3FDB];
	s0 =	simm.s32 @p2 $0x1  }
0x17: {  	s4 =	simm.s32 $0x1BF5;
	[smem:$0x3FBB] =	sst s0  }
0x18: {  	s0 =	sld [smem:$0x3F9E];
	_ =	swait.ge [sflag:s4], $0x0  }
0x19: {  	s7 =	sld [smem:$0x3F9F]  }
0x1a: {  	s8 =	sadd.s32 $0xFFFFE003, lr  }
0x1b: {  	s9 =	sadd.s32 $0xFFFFFEF7, lr;
	s5 =	simm.s32 $0xFFFFFFFF;
	p2 =	slt.u32 s8, $0xFFFFF086  }
0x1c: {  	p1 =	slt.u32 s9, $0xF7A;
	s5 =	simm.s32 @!p2 $0x0  }
0x1d: {  	s5 =	simm.s32 @p1 $0x1;
	p0 =	seq.s32 s7, s2  }
0x1e: {  	s7 =	smul.u32 @!p0 $0xF7A, s2;
	p2 =	seq.s32 @!p0 s5, $0x0  }
0x1f: {  	s9 =	smul.u32 $0xF7A, s1;
	s8 =	simm.s32 @!p0 $0x1BF5;
	p2 =	por !p2, p0  }
0x20: {  	[sflag:s8] =	ssyncset.s32 @!p0 $0xFFFFF086;
	s6 =	sadd.s32 @!p0 s3, s7;
	s7 =	simm.s32 @!p0 $0x108  }
0x21: {  	s3 =	sadd.s32 s3, s9;
	s6 =	sadd.s32 @!p0 $0x88, s6;
	s7 =	simm.s32 @p2 $0x1082  }
0x22: {  	[simem:s7], [sflag:s8] =	dma.local @!p0 [hbm:s6], $0xF7A  }
0x23: {  	s9 =	sor.u32 $0xD0000000, s2;
	s6 =	simm.s32 $0x108;
	_ =	swait.ge @!p0 [sflag:s8], $0x0  }
0x24: {  	s3 =	sadd.s32 $0x88, s3;
	s6 =	simm.s32 @!p1 $0x1082;
	[sflag:s4] =	ssyncset.s32 $0xFFFFF086  }
0x25: {  	[simem:s6], [sflag:s4] =	dma.local [hbm:s3], $0xF7A  }
0x26: {  	[smem:$0x3F9F] =	sst s1;
	(tag) =	ssettag s2;
	_ =	strace s9  }
0x27: {  	s1 =	sld [smem:$0x3FAF]  }
0x28: {  	s2 =	sld [smem:$0x3FB0]  }
0x29: {  	s4 =	sld [smem:$0x3FB2]  }
0x2a: {  	p0 =	seq.s32 s5, $0x0;
	s5 =	sld [smem:$0x3FB3]  }
0x2b: {  	s6 =	sld [smem:$0x3FB4]  }
0x2c: {  	s7 =	sld [smem:$0x3FB5]  }
0x2d: {  	s3 =	simm.s32 $0x108;
	s8 =	sld [smem:$0x3FB6]  }
0x2e: {  	s3 =	simm.s32 @!p0 $0x1082;
	s9 =	sld [smem:$0x3FB7]  }
0x2f: {  	lr =	sadd.s32 s0, s3;
	s0 =	sld [smem:$0x3FAE]  }
0x30: {  	s3 =	sld [smem:$0x3FB1]  }
0x31: {  	[smem:$0x3FBA] =	sst s10  }
0x32: {  	s10 =	sld [smem:$0x3FB8];
	_ =	sdelay $0x3  }
0x33: {  	p0 =	seq.s32 s10, $0x1;
	s10 =	sld [smem:$0x3FBA];
	_ =	sdelay $0x3  }
0x34: {  	[smem:$0x3FBA] =	sst s10  }
0x35: {  	s10 =	sld [smem:$0x3FB9];
	_ =	sdelay $0x3  }
0x36: {  	p1 =	seq.s32 s10, $0x1;
	s10 =	sld [smem:$0x3FBA];
	_ =	sdelay $0x3  }
0x37: {  	[smem:$0x3FBA] =	sst s10  }
0x38: {  	s10 =	sld [smem:$0x3FBB]  }
0x39: {  	_ = 	snop;
	(pc) =	sbr.ind lr, $3  }
0x3a: {  	_ = 	snop  }
0x3b: {  	_ = 	snop  }
0x3c: {  	p2 =	seq.s32 s10, $0x1;
	s10 =	sld [smem:$0x3FBA]  }
0x3d: {  	_ =	shalt  }
0x3e: {  	_ =	shalt  }
0x3f: {  	_ =	shalt  }
0x40: {  	_ =	shalt  }
0x41: {  	_ =	shalt  }
0x42: {  	_ =	shalt  }
0x43: {  	_ =	shalt  }
0x44: {  	_ =	shalt  }
0x45: {  	_ =	shalt  }
0x46: {  	_ =	shalt  }
0x47: {  	_ =	shalt  }
0x48: {  	_ =	shalt  }
0x49: {  	_ =	shalt  }
0x4a: {  	_ =	shalt  }
0x4b: {  	_ =	shalt  }
0x4c: {  	_ =	shalt  }
0x4d: {  	_ =	shalt  }
0x4e: {  	_ =	shalt  }
0x4f: {  	_ =	shalt  }
0x50: {  	_ =	shalt  }
0x51: {  	_ =	shalt  }
0x52: {  	_ =	shalt  }
0x53: {  	_ =	shalt  }
0x54: {  	_ =	shalt  }
0x55: {  	_ =	shalt  }
0x56: {  	_ =	shalt  }
0x57: {  	_ =	shalt  }
0x58: {  	_ =	shalt  }
0x59: {  	_ =	shalt  }
0x5a: {  	_ =	shalt  }
0x5b: {  	_ =	shalt  }
0x5c: {  	_ =	shalt  }
0x5d: {  	_ =	shalt  }
0x5e: {  	_ =	shalt  }
0x5f: {  	_ =	shalt  }
0x60: {  	_ =	shalt  }
0x61: {  	_ =	shalt  }
0x62: {  	_ =	shalt  }
0x63: {  	_ =	shalt  }
0x64: {  	_ =	shalt  }
0x65: {  	_ =	shalt  }
0x66: {  	_ =	shalt  }
0x67: {  	_ =	shalt  }
0x68: {  	_ =	shalt  }
0x69: {  	_ =	shalt  }
0x6a: {  	_ =	shalt  }
0x6b: {  	_ =	shalt  }
0x6c: {  	_ =	shalt  }
0x6d: {  	_ =	shalt  }
0x6e: {  	_ =	shalt  }
0x6f: {  	_ =	shalt  }
0x70: {  	_ =	shalt  }
0x71: {  	_ =	shalt  }
0x72: {  	_ =	shalt  }
0x73: {  	_ =	shalt  }
0x74: {  	_ =	shalt  }
0x75: {  	_ =	shalt  }
0x76: {  	_ =	shalt  }
0x77: {  	_ =	shalt  }
0x78: {  	_ =	shalt  }
0x79: {  	_ =	shalt  }
0x7a: {  	_ =	shalt  }
0x7b: {  	_ =	shalt  }
0x7c: {  	_ =	shalt  }
0x7d: {  	_ =	shalt  }
0x7e: {  	_ =	shalt  }
0x7f: {  	_ =	shalt  }
0x80: {  	_ =	shalt  }
0x81: {  	_ =	shalt  }
0x82: {  	_ =	shalt  }
0x83: {  	_ =	shalt  }
0x84: {  	_ =	shalt  }
0x85: {  	_ =	shalt  }
0x86: {  	_ =	shalt  }
0x87: {  	_ =	shalt  }
.Lfunc_end0:
.L_simem_size_0:
called_computation_lowered:
.L_overlay_start_0:
0x88: {  	s2 =	sld [smem:$0x3FD9]  }
0x89: {  	s3 =	sld [smem:$0x3FFE];
	_ =	sdelay $0x1  }
0x8a: {  	s1 =	srdreg.scid  }
0x8b: {  	s0 =	sand.u32 $0x1, s1  }
0x8c: {  	s16 =	sshll.u32 s0, $0xA;
	s2 =	sadd.s32 s3, s2  }
0x8d: {  	s2 =	sadd.s32 s2, s16  }
0x8e: {  	[smem:$0x3FC6] =	sst s2  }
0x8f: {  	_ = 	snop  }
0x90: {  	(tm) =	ssettm $0x1  }
0x91: {  	s17 =	sld [smem:$0x3FFB];
	_ =	sdelay $0x3  }
0x92: {  	_ =	strace s17  }
0x93: {  	s2 =	sld [smem:$0x3FFC];
	_ =	sdelay $0x3  }
0x94: {  	_ =	strace s2  }
0x95: {  	s2 =	sld [smem:$0x3FFD];
	_ =	sdelay $0x3  }
0x96: {  	_ =	strace s2  }
0x97: {  	_ =	strace $0x8FFFFFFF  }
0x98: {  	s18 =	sld [smem:$0x3FDB];
	_ =	sdelay $0x1  }
0x99: {  	s19 =	simm.s32 $_scs_section_size  }
0x9a: {  	s4 =	simm.s32 $_size__tile_overlayer_lowered;
	s5 =	simm.s32 $_tile_overlayer_lowered  }
0x9b: {  	s22 =	simm.s32 $0x1BFF;
	s21 =	sshll.u32 s5, $0x1;
	s2 =	sadd.s32 s19, s18  }
0x9c: {  	s6 =	simm.s32 $0x0;
	s20 =	sshll.u32 s4, $0x1;
	s4 =	sadd.s32 s21, s2  }
0x9d: {  	[timem:s6], [sflag:s22] =	dma.local [hbm:s4], s20  }
0x9e: {  	_ =	swait.ge [sflag:s22], s20  }
0x9f: {  	s3 =	ssub.s32 $0x0, s20;
	[sflag:s22] =	ssyncset.done $0x0  }
0xa0: {  	[sflag:s22] =	ssyncadd.s32 s3;
	_ =	sdelay $0x1  }
0xa1: {  	s23 =	simm.s32 $0x1B8B  }
0xa2: {  	_ =	swait.ge [sflag:s23], $0x1  }
0xa3: {  	[sflag:s23] =	ssyncset.done $0x0  }
0xa4: {  	s25 =	simm.s32 $0x1B8E;
	s24 =	sld [smem:$0x3FFE];
	[sflag:s23] =	ssyncadd.s32 $0xFFFFFFFF  }
0xa5: {  	s26 =	simm.s32 $execute0_lowered;
	[smem:$0x3FD2] =	sst s25  }
0xa6: {  	s4 =	sshll.u32 s26, $0x1;
	_ =	strace $0x80000046;
	[dreg:$0x1] =	wrdreg $0xFFFFFFFF  }
0xa7: {  	s28 =	simm.s32 $_size_execute0_lowered;
	s2 =	sadd.s32 s2, s4;
	[dreg:$0x0] =	wrdreg $0x0  }
0xa8: {  	s4 =	sshll.u32 s28, $0x1;
	[dreg:$0x2] =	wrdreg s2  }
0xa9: {  	[dreg:$0x3] =	wrdreg s4  }
0xaa: {  	[dreg:$0x4] =	wrdreg $0xC0  }
0xab: {  	_ =	task [dreg:s6], $0x5FFFF  }
0xac: {  	[dreg:$0x1] =	wrdreg $0xFFFFFFFF  }
0xad: {  	[dreg:$0x0] =	wrdreg $0x60  }
0xae: {  	[dreg:$0x2] =	wrdreg s24  }
0xaf: {  	[dreg:$0x3] =	wrdreg $0x9  }
0xb0: {  	_ =	task.clear_ibuf [dreg:s6], $0x4FFFF;
	_ =	strace $0x90000046  }
0xb1: {  	s29 =	simm.s32 $0x9;
	_ =	strace $0x80000048  }
0xb2: {  	_ =	swait.ge [sflag:s29], $0x1  }
0xb3: {  	[sflag:s29] =	ssyncadd.s32 $0xFFFFFFFF  }
0xb4: {  	_ =	strace $0x90000048  }
0xb5: {  	_ =	sfence  }
0xb6: {  	s30 =	sld [smem:$0x0];
	_ =	sdelay $0x2  }
0xb7: {  	s31 =	sshll.u32 s1, $0xD;
	s1 =	sshrl.u32 s1, $0x2  }
0xb8: {  	s3 =	sand.u32 $0x4000, s31;
	s1 =	sadd.s32 s1, s30  }
0xb9: {  	s0 =	sor.u32 s3, s0;
	s1 =	sshll.u32 s1, $0x11  }
0xba: {  	s0 =	sor.u32 s1, s0  }
0xbb: {  	s0 =	sadd.s32 $0x8F2B, s0  }
0xbc: {  	[sflag:s0] =	ssyncadd.remote.s32 $0x1  }
0xbd: {  	_ =	sfence.sel $0xFFFF  }
0xbe: {  	[dreg:$0x0] =	wrdreg $0xFFFFFFFF;
	(pc) =	sbr.abs _section_cstart, $3  }
0xbf: {  	[dreg:$0x1] =	wrdreg $0xFFFFFFFF  }
0xc0: {  	_ =	task.clear_ibuf [dreg:s6], $0x2FFFF;
	_ =	strace $0x9FFFFFFF  }
0xc1: {  	(tm) =	ssettm $0x7FFFFFFF  }
tec
execute0_lowered:
.L_overlay_start_1:
0x0: {  	(tag) =	ssettag $0x1  }
0x1: {  	s2 =	stileid.u32  }
0x2: {  	s0 =	srdreg.scid;
	s6 =	rddreg [dreg:$0x0];
	s5 =	simm.s32 $0x0  }
0x3: {  	s13 =	simm.s32 $0x800;
	s14 =	simm.s32 $0x24000;
	s17 =	simm.s32 $0x1000  }
0x4: {  	s18 =	simm.s32 $0xD800;
	s19 =	simm.s32 $0x1;
	s20 =	simm.s32 $0x16800  }
0x5: {  	s21 =	simm.s32 $0x16C00;
	s28 =	simm.s32 $0x18400;
	s29 =	simm.s32 $0x18800  }
0x6: {  	s30 =	simm.s32 $0x18C00;
	s31 =	simm.s32 $0x19000;
	s15 =	simm.s32 $0x2  }
0x7: {  	s16 =	simm.s32 $0x3;
	s10 =	simm.s32 $0x0;
	s1 =	sshll.u32 s2, $0x1  }
0x8: {  	s0 =	sand.u32 $0x1, s0;
	s2 =	sshrl.u32 s2, $0x2;
	[smem:$0x7FF] =	sst s5  }
0x9: {  	s5 =	sadd.s32 $0x400, s6;
	s1 =	sand.u32 $0x6, s1;
	s3 =	smul.u32 $0x18000, s2  }
0xa: {  	s7 =	smul.u32 $0xD80000, s2;
	s1 =	sor.u32 s0, s1;
	s0 =	ssub.s32 $0x2, s0  }
0xb: {  	_ =	strace $0x80000047;
	s4 =	smul.u32 $0x3000, s1;
	s24 =	sshrl.u32 s0, $0x1  }
0xc: {  	s1 =	smul.u32 $0x1B0000, s1;
	s0 =	ssub.s32 s0, s24;
	s24 =	simm.s32 $0x17800  }
0xd: {  	s4 =	sadd.s32 s3, s4;
	s3 =	sadd.s32 $0x12400, s6;
	s0 =	smax.u32 s0, $0x1  }
0xe: {  	s8 =	sshrl.u32 s4, $0x3;
	s4 =	smul.u32 $0x24000, s2;
	[dreg:$0x7] =	wrdreg s0  }
0xf: {  	s0 =	simm.s32 $0x19800;
	s22 =	sadd.s32 s8, s6;
	s6 =	sadd.s32 s7, s1  }
0x10: {  	s8 =	simm.s32 $0x0;
	s23 =	sshrl.u32 s4, $0x3;
	s26 =	sadd.s32 $0x6D2400, s22  }
0x11: {  	s7 =	sshrl.u32 s6, $0x3;
	s1 =	sadd.s32 s5, s23;
	[dreg:$0x6] =	wrdreg s26  }
0x12: {  	s22 =	simm.s32 $0x17000;
	s7 =	sadd.s32 s3, s7;
	[dreg:$0x2] =	wrdreg s1  }
0x13: {  	s23 =	simm.s32 $0x17400;
	s1 =	sadd.s32 $0x100, s1;
	[dreg:$0x3] =	wrdreg s7  }
0x14: {  	s26 =	simm.s32 $0x18000;
	s25 =	sadd.s32 $0x100, s7;
	[dreg:$0x4] =	wrdreg s1  }
0x15: {  	v0 =	vimm.f32 $0.0e+00;
	v1 =	vimm.f32 $1.000000000e+00;
	[dreg:$0x5] =	wrdreg s25;
	s25 =	simm.s32 $0x17C00;
	s1 =	simm.s32 $0x19400  }
.LBB2_1:
0x16: {  	s2 =	simm.s32 $0x0;
	s7 =	simm.s32 $0x40  }
.LBB2_2:
0x17: {  	p0 =	sne.s32 s7, $0xFC0;
	[tilespmem:s2+$0x19800] =	vst v0  }
0x18: {  	[tilespmem:s2+$0x16800] =	vst v0  }
0x19: {  	[tilespmem:s2+$0x16C00] =	vst v0  }
0x1a: {  	[tilespmem:s2+$0x17000] =	vst v0  }
0x1b: {  	[tilespmem:s2+$0x17400] =	vst v0  }
0x1c: {  	[tilespmem:s2+$0x17800] =	vst v0  }
0x1d: {  	[tilespmem:s2+$0x17C00] =	vst v0  }
0x1e: {  	[tilespmem:s2+$0x18000] =	vst v0  }
.Ltmp0:
0x1f: {  	[tilespmem:s2+$0x18400] =	vst v0;
	(pc) =	sbr.rel @p0 .LBB2_2-.Ltmp0, $4  }
0x20: {  	[tilespmem:s2+$0x18800] =	vst v0  }
0x21: {  	[tilespmem:s2+$0x18C00] =	vst v0  }
0x22: {  	[tilespmem:s2+$0x19000] =	vst v0  }
0x23: {  	[tilespmem:s2+$0x19400] =	vst v0;
	s2 =	sshra.s32 s7, $0x2;
	s7 =	sadd.s32 $0x40, s7  }
0x24: {  	[tilespmem:s2+$0x19800] =	vst v0  }
0x25: {  	[tilespmem:s2+$0x16800] =	vst v0  }
0x26: {  	[tilespmem:s2+$0x16C00] =	vst v0  }
0x27: {  	[tilespmem:s2+$0x17000] =	vst v0  }
0x28: {  	[tilespmem:s2+$0x17400] =	vst v0  }
0x29: {  	[tilespmem:s2+$0x17800] =	vst v0  }
0x2a: {  	[tilespmem:s2+$0x17C00] =	vst v0  }
0x2b: {  	[tilespmem:s2+$0x18000] =	vst v0  }
0x2c: {  	[tilespmem:s2+$0x18400] =	vst v0  }
0x2d: {  	[tilespmem:s2+$0x18800] =	vst v0  }
0x2e: {  	[tilespmem:s2+$0x18C00] =	vst v0  }
0x2f: {  	[dreg:$0x8] =	wrdreg s8;
	[tilespmem:s2+$0x19000] =	vst v0  }
0x30: {  	[tilespmem:s2+$0x19400] =	vst v0;
	s7 =	rddreg [dreg:$0x2]  }
0x31: {  	[tilespmem:s10], [sflag:$0x1] =	stream.linear.gather [hbm4b:s7+s10], $0x800, $0x38;
	[tilespmem:$0x19C00] =	vst v63  }
0x32: {  	s8 =	rddreg [dreg:$0x3];
	s7 =	simm.s32 $0x1800  }
0x33: {  	[tilespmem:s7], [sflag:$0x1] =	stream.strided.gather [hbm4b:s8+s13], $0x6000, s14, s13, $0x38;
	[tilespmem:$0x19C00] =	vst v63  }
0x34: {  	s9 =	rddreg [dreg:$0x4]  }
0x35: {  	[tilespmem:s13], [sflag:$0x2] =	stream.linear.gather [hbm4b:s9+s10], $0x800, $0x38;
	[tilespmem:$0x19C00] =	vst v63  }
0x36: {  	s11 =	rddreg [dreg:$0x5];
	s12 =	simm.s32 $0x7800  }
0x37: {  	[tilespmem:s12], [sflag:$0x2] =	stream.strided.gather [hbm4b:s11+s13], $0x6000, s14, s13, $0x38;
	[tilespmem:$0x19C00] =	vst v63  }
0x38: {  	s11 =	simm.s32 $0x0  }
.LBB2_4:
0x39: {  	s12 =	smul.u32 $0x1800, s11;
	_ =	sdelay $0x1  }
0x3a: {  	s2 =	sadd.s32 $0x1000, s12  }
0x3b: {  	s7 =	sadd.s32 s4, s2  }
0x3c: {  	s2 =	sadd.s32 s6, s2;
	s7 =	sshrl.u32 s7, $0x3  }
0x3d: {  	s2 =	sshrl.u32 s2, $0x3;
	s7 =	sadd.s32 s5, s7  }
0x3e: {  	[tilespmem:s17], [sflag:$0x3] =	stream.linear.gather [hbm4b:s7+s10], $0x800, $0x38;
	[tilespmem:$0x19C00] =	vst v63  }
0x3f: {  	s2 =	sadd.s32 s3, s2  }
0x40: {  	[tilespmem:s18], [sflag:$0x3] =	stream.strided.gather [hbm4b:s2+s13], $0x6000, s14, s13, $0x38;
	[tilespmem:$0x19C00] =	vst v63  }
0x41: {  	_ =	swait.ge [sflag:s19], $0x800  }
0x42: {  	[sflag:s19] =	ssyncset.done $0x0  }
0x43: {  	[sflag:s19] =	ssyncadd.s32 $0xFFFFF800  }
0x44: {  	_ =	swait.ge [sflag:s19], $0x6000  }
0x45: {  	[sflag:s19] =	ssyncset.done $0x0  }
0x46: {  	[sflag:s19] =	ssyncadd.s32 $0xFFFFA000  }
0x47: {  	v15 =	vld [tilespmem:$0x0]  }
0x48: {  	v17 =	vld [tilespmem:$0x1800]  }
0x49: {  	v18 =	vld [tilespmem:$0x2000]  }
0x4a: {  	v19 =	vld [tilespmem:$0x2800]  }
0x4b: {  	v20 =	vld [tilespmem:$0x3000]  }
0x4c: {  	v21 =	vld [tilespmem:$0x3800]  }
0x4d: {  	v22 =	vld [tilespmem:$0x4000]  }
0x4e: {  	v23 =	vld [tilespmem:$0x4800]  }
0x4f: {  	v24 =	vld [tilespmem:$0x5000]  }
0x50: {  	v25 =	vld [tilespmem:$0x5800]  }
0x51: {  	v26 =	vld [tilespmem:$0x6000]  }
0x52: {  	v27 =	vld [tilespmem:$0x6800]  }
0x53: {  	s9 =	simm.s32 $0x0;
	v16 =	vld [tilespmem:$0x7000]  }
0x54: {  	v2 =	vld [tilespmem:s9+$0x40]  }
0x55: {  	v3 =	vld [tilespmem:s9+$0x1840]  }
0x56: {  	v4 =	vld [tilespmem:s9+$0x2040]  }
0x57: {  	v7 =	vld [tilespmem:s9+$0x2840]  }
0x58: {  	v11 =	vld [tilespmem:s9+$0x3040]  }
0x59: {  	v6 =	vld [tilespmem:s9+$0x3840]  }
0x5a: {  	v10 =	vld [tilespmem:s9+$0x4040]  }
0x5b: {  	v12 =	vld [tilespmem:s9+$0x4840]  }
0x5c: {  	v14 =	vld [tilespmem:s9+$0x5040]  }
0x5d: {  	v13 =	vld [tilespmem:s9+$0x5840]  }
0x5e: {  	v9 =	vld [tilespmem:s9+$0x6040]  }
0x5f: {  	v8 =	vld [tilespmem:s9+$0x6840]  }
0x60: {  	v5 =	vld [tilespmem:s9+$0x7040]  }
0x61: {  	v28 =	vld [tilespmem:s9+$0x1830]  }
0x62: {  	v29 =	vld [tilespmem:s9+$0x2030]  }
0x63: {  	v30 =	vld [tilespmem:s9+$0x2830]  }
0x64: {  	v31 =	vld [tilespmem:s9+$0x3030]  }
0x65: {  	v32 =	vld [tilespmem:s9+$0x3830]  }
0x66: {  	v33 =	vld [tilespmem:s9+$0x30]  }
0x67: {  	v34 =	vld [tilespmem:s9+$0x4030]  }
0x68: {  	v35 =	vld [tilespmem:s9+$0x4830]  }
0x69: {  	v36 =	vld [tilespmem:s9+$0x5030]  }
0x6a: {  	v37 =	vld [tilespmem:s9+$0x5830]  }
0x6b: {  	v38 =	vld [tilespmem:s9+$0x6030]  }
0x6c: {  	v39 =	vld [tilespmem:s9+$0x6830]  }
0x6d: {  	v40 =	vld [tilespmem:s9+$0x7030]  }
0x6e: {  	v56 =	vld [tilespmem:s9+$0x3010]  }
0x6f: {  	v57 =	vld [tilespmem:s9+$0x3810]  }
0x70: {  	v58 =	vld [tilespmem:s9+$0x4010]  }
0x71: {  	v59 =	vld [tilespmem:s9+$0x4810]  }
0x72: {  	v60 =	vld [tilespmem:s9+$0x5010]  }
0x73: {  	v61 =	vld [tilespmem:s9+$0x5810]  }
0x74: {  	v62 =	vld [tilespmem:s9+$0x6010]  }
0x75: {  	v63 =	vld [tilespmem:s9+$0x6810]  }
0x76: {  	v41 =	vld [tilespmem:s9+$0x7010]  }
0x77: {  	v42 =	vld [tilespmem:s9+$0x1820]  }
0x78: {  	v43 =	vld [tilespmem:s9+$0x2020]  }
0x79: {  	v44 =	vld [tilespmem:s9+$0x2820]  }
0x7a: {  	v45 =	vld [tilespmem:s9+$0x3020]  }
0x7b: {  	v46 =	vld [tilespmem:s9+$0x3820]  }
0x7c: {  	v47 =	vld [tilespmem:s9+$0x4020]  }
0x7d: {  	v48 =	vld [tilespmem:s9+$0x4820]  }
0x7e: {  	v49 =	vld [tilespmem:s9+$0x5020]  }
0x7f: {  	v50 =	vld [tilespmem:s9+$0x5820]  }
0x80: {  	v51 =	vld [tilespmem:s9+$0x6020]  }
0x81: {  	v52 =	vld [tilespmem:s9+$0x6820]  }
0x82: {  	v53 =	vld [tilespmem:s9+$0x7020]  }
0x83: {  	[tilespmem:v33+s20+$0x0] =	vst.idx.add.f32.msk $0xffff, v1  }
0x84: {  	[tilespmem:v33+s21+$0x0] =	vst.idx.add.f32.msk $0xffff, v28  }
0x85: {  	v28 =	vld [tilespmem:s9+$0x10]  }
0x86: {  	[tilespmem:v33+s22+$0x0] =	vst.idx.add.f32.msk $0xffff, v29  }
0x87: {  	v29 =	vld [tilespmem:s9+$0x20]  }
0x88: {  	[tilespmem:v33+s23+$0x0] =	vst.idx.add.f32.msk $0xffff, v30  }
0x89: {  	v30 =	vld [tilespmem:s9+$0x1810]  }
0x8a: {  	[tilespmem:v33+s24+$0x0] =	vst.idx.add.f32.msk $0xffff, v31  }
0x8b: {  	v31 =	vld [tilespmem:s9+$0x2010]  }
0x8c: {  	[tilespmem:v33+s25+$0x0] =	vst.idx.add.f32.msk $0xffff, v32  }
0x8d: {  	v32 =	vld [tilespmem:s9+$0x2810]  }
0x8e: {  	[tilespmem:v15+s20+$0x0] =	vst.idx.add.f32.msk $0xffff, v1  }
0x8f: {  	[tilespmem:v33+s26+$0x0] =	vst.idx.add.f32.msk $0xffff, v34  }
0x90: {  	[tilespmem:v15+s21+$0x0] =	vst.idx.add.f32.msk $0xffff, v17  }
0x91: {  	[tilespmem:v33+s28+$0x0] =	vst.idx.add.f32.msk $0xffff, v35  }
0x92: {  	[tilespmem:v15+s22+$0x0] =	vst.idx.add.f32.msk $0xffff, v18  }
0x93: {  	[tilespmem:v33+s29+$0x0] =	vst.idx.add.f32.msk $0xffff, v36  }
0x94: {  	[tilespmem:v15+s23+$0x0] =	vst.idx.add.f32.msk $0xffff, v19  }
0x95: {  	[tilespmem:v33+s30+$0x0] =	vst.idx.add.f32.msk $0xffff, v37  }
0x96: {  	[tilespmem:v28+s20+$0x0] =	vst.idx.add.f32.msk $0xffff, v1  }
0x97: {  	[tilespmem:v15+s24+$0x0] =	vst.idx.add.f32.msk $0xffff, v20  }
0x98: {  	[tilespmem:v33+s31+$0x0] =	vst.idx.add.f32.msk $0xffff, v38  }
0x99: {  	[tilespmem:v28+s21+$0x0] =	vst.idx.add.f32.msk $0xffff, v30  }
0x9a: {  	[tilespmem:v29+s20+$0x0] =	vst.idx.add.f32.msk $0xffff, v1  }
0x9b: {  	[tilespmem:v15+s25+$0x0] =	vst.idx.add.f32.msk $0xffff, v21  }
0x9c: {  	[tilespmem:v33+s1+$0x0] =	vst.idx.add.f32.msk $0xffff, v39  }
0x9d: {  	[tilespmem:v28+s22+$0x0] =	vst.idx.add.f32.msk $0xffff, v31  }
0x9e: {  	[tilespmem:v29+s21+$0x0] =	vst.idx.add.f32.msk $0xffff, v42  }
0x9f: {  	[tilespmem:v15+s26+$0x0] =	vst.idx.add.f32.msk $0xffff, v22  }
0xa0: {  	[tilespmem:v33+s0+$0x0] =	vst.idx.add.f32.msk $0xffff, v40  }
0xa1: {  	[tilespmem:v28+s23+$0x0] =	vst.idx.add.f32.msk $0xffff, v32  }
0xa2: {  	[tilespmem:v29+s22+$0x0] =	vst.idx.add.f32.msk $0xffff, v43  }
0xa3: {  	[tilespmem:v15+s28+$0x0] =	vst.idx.add.f32.msk $0xffff, v23  }
0xa4: {  	[tilespmem:v28+s24+$0x0] =	vst.idx.add.f32.msk $0xffff, v56  }
0xa5: {  	[tilespmem:v29+s23+$0x0] =	vst.idx.add.f32.msk $0xffff, v44  }
0xa6: {  	[tilespmem:v15+s29+$0x0] =	vst.idx.add.f32.msk $0xffff, v24  }
0xa7: {  	[tilespmem:v28+s25+$0x0] =	vst.idx.add.f32.msk $0xffff, v57  }
0xa8: {  	[tilespmem:v29+s24+$0x0] =	vst.idx.add.f32.msk $0xffff, v45  }
0xa9: {  	[tilespmem:v15+s30+$0x0] =	vst.idx.add.f32.msk $0xffff, v25  }
0xaa: {  	[tilespmem:v28+s26+$0x0] =	vst.idx.add.f32.msk $0xffff, v58  }
0xab: {  	[tilespmem:v29+s25+$0x0] =	vst.idx.add.f32.msk $0xffff, v46  }
0xac: {  	[tilespmem:v15+s31+$0x0] =	vst.idx.add.f32.msk $0xffff, v26  }
0xad: {  	[tilespmem:v28+s28+$0x0] =	vst.idx.add.f32.msk $0xffff, v59  }
0xae: {  	[tilespmem:v29+s26+$0x0] =	vst.idx.add.f32.msk $0xffff, v47  }
0xaf: {  	[tilespmem:v15+s1+$0x0] =	vst.idx.add.f32.msk $0xffff, v27  }
0xb0: {  	[tilespmem:v28+s29+$0x0] =	vst.idx.add.f32.msk $0xffff, v60  }
0xb1: {  	[tilespmem:v29+s28+$0x0] =	vst.idx.add.f32.msk $0xffff, v48  }
0xb2: {  	[tilespmem:v28+s30+$0x0] =	vst.idx.add.f32.msk $0xffff, v61  }
0xb3: {  	[tilespmem:v29+s29+$0x0] =	vst.idx.add.f32.msk $0xffff, v49  }
0xb4: {  	[tilespmem:v28+s31+$0x0] =	vst.idx.add.f32.msk $0xffff, v62  }
0xb5: {  	[tilespmem:v29+s30+$0x0] =	vst.idx.add.f32.msk $0xffff, v50  }
0xb6: {  	[tilespmem:v28+s1+$0x0] =	vst.idx.add.f32.msk $0xffff, v63  }
0xb7: {  	[tilespmem:v29+s31+$0x0] =	vst.idx.add.f32.msk $0xffff, v51  }
0xb8: {  	[tilespmem:v28+s0+$0x0] =	vst.idx.add.f32.msk $0xffff, v41  }
0xb9: {  	[tilespmem:v29+s1+$0x0] =	vst.idx.add.f32.msk $0xffff, v52  }
0xba: {  	s8 =	simm.s32 $0x100;
	s7 =	simm.s32 $0x0;
	[tilespmem:v29+s0+$0x0] =	vst.idx.add.f32.msk $0xffff, v53  }
.LBB2_5:
0xbb: {  	s9 =	sshra.s32 s8, $0x2;
	[tilespmem:v15+s0+$0x0] =	vst.idx.add.f32.msk $0xffff, v16;
	v15 =	vmovc v2;
	v27 =	vmovc v3;
	v26 =	vmov v4;
	v24 =	vmov v7;
	v22 =	vmov v11  }
0xbc: {  	v25 =	vmovc v6;
	v23 =	vmovc v10;
	v21 =	vmov v12;
	v19 =	vmov v14;
	v17 =	vmov v13;
	v2 =	vld [tilespmem:s9+$0x40]  }
0xbd: {  	v20 =	vmov v9;
	v18 =	vmov v8;
	v16 =	vmov v5;
	v3 =	vld [tilespmem:s9+$0x1840]  }
0xbe: {  	v4 =	vld [tilespmem:s9+$0x2040]  }
0xbf: {  	v7 =	vld [tilespmem:s9+$0x2840]  }
0xc0: {  	v11 =	vld [tilespmem:s9+$0x3040]  }
0xc1: {  	v6 =	vld [tilespmem:s9+$0x3840]  }
0xc2: {  	v10 =	vld [tilespmem:s9+$0x4040]  }
0xc3: {  	v12 =	vld [tilespmem:s9+$0x4840]  }
0xc4: {  	v14 =	vld [tilespmem:s9+$0x5040]  }
0xc5: {  	v13 =	vld [tilespmem:s9+$0x5840]  }
0xc6: {  	v9 =	vld [tilespmem:s9+$0x6040]  }
0xc7: {  	v8 =	vld [tilespmem:s9+$0x6840]  }
0xc8: {  	v5 =	vld [tilespmem:s9+$0x7040]  }
0xc9: {  	v28 =	vld [tilespmem:s9+$0x1830]  }
0xca: {  	v29 =	vld [tilespmem:s9+$0x2030]  }
0xcb: {  	v30 =	vld [tilespmem:s9+$0x2830]  }
0xcc: {  	v31 =	vld [tilespmem:s9+$0x3030]  }
0xcd: {  	v32 =	vld [tilespmem:s9+$0x3830]  }
0xce: {  	v33 =	vld [tilespmem:s9+$0x30]  }
0xcf: {  	v34 =	vld [tilespmem:s9+$0x4030]  }
0xd0: {  	v35 =	vld [tilespmem:s9+$0x4830]  }
0xd1: {  	v36 =	vld [tilespmem:s9+$0x5030]  }
0xd2: {  	v37 =	vld [tilespmem:s9+$0x5830]  }
0xd3: {  	v38 =	vld [tilespmem:s9+$0x6030]  }
0xd4: {  	v39 =	vld [tilespmem:s9+$0x6830]  }
0xd5: {  	v40 =	vld [tilespmem:s9+$0x7030]  }
0xd6: {  	[tilespmem:v33+s20+$0x0] =	vst.idx.add.f32.msk $0xffff, v1  }
0xd7: {  	[tilespmem:v33+s21+$0x0] =	vst.idx.add.f32.msk $0xffff, v28  }
0xd8: {  	[tilespmem:v33+s22+$0x0] =	vst.idx.add.f32.msk $0xffff, v29  }
0xd9: {  	s7 =	sadd.s32 $0x4, s7;
	[tilespmem:v33+s23+$0x0] =	vst.idx.add.f32.msk $0xffff, v30  }
0xda: {  	p0 =	slt.u32 s7, $0x78;
	[tilespmem:v33+s24+$0x0] =	vst.idx.add.f32.msk $0xffff, v31  }
0xdb: {  	[tilespmem:v33+s25+$0x0] =	vst.idx.add.f32.msk $0xffff, v32  }
0xdc: {  	[tilespmem:v33+s26+$0x0] =	vst.idx.add.f32.msk $0xffff, v34  }
0xdd: {  	[tilespmem:v33+s28+$0x0] =	vst.idx.add.f32.msk $0xffff, v35  }
0xde: {  	[tilespmem:v33+s29+$0x0] =	vst.idx.add.f32.msk $0xffff, v36  }
0xdf: {  	[tilespmem:v33+s30+$0x0] =	vst.idx.add.f32.msk $0xffff, v37  }
0xe0: {  	[tilespmem:v33+s31+$0x0] =	vst.idx.add.f32.msk $0xffff, v38  }
0xe1: {  	[tilespmem:v33+s1+$0x0] =	vst.idx.add.f32.msk $0xffff, v39  }
0xe2: {  	s2 =	simm.s32 $0x0;
	[tilespmem:v33+s0+$0x0] =	vst.idx.add.f32.msk $0xffff, v40  }
0xe3: {  	v28 =	vld [tilespmem:s9+$0x10]  }
0xe4: {  	v29 =	vld [tilespmem:s9+$0x20]  }
0xe5: {  	v30 =	vld [tilespmem:s9+$0x1810]  }
0xe6: {  	v31 =	vld [tilespmem:s9+$0x2010]  }
0xe7: {  	v32 =	vld [tilespmem:s9+$0x2810]  }
0xe8: {  	v33 =	vld [tilespmem:s9+$0x3010]  }
0xe9: {  	v34 =	vld [tilespmem:s9+$0x3810]  }
0xea: {  	v35 =	vld [tilespmem:s9+$0x4010]  }
0xeb: {  	v36 =	vld [tilespmem:s9+$0x4810]  }
0xec: {  	v37 =	vld [tilespmem:s9+$0x5010]  }
0xed: {  	v38 =	vld [tilespmem:s9+$0x5810]  }
0xee: {  	v39 =	vld [tilespmem:s9+$0x6010]  }
0xef: {  	v40 =	vld [tilespmem:s9+$0x6810]  }
0xf0: {  	v41 =	vld [tilespmem:s9+$0x7010]  }
0xf1: {  	v42 =	vld [tilespmem:s9+$0x1820]  }
0xf2: {  	v43 =	vld [tilespmem:s9+$0x2020]  }
0xf3: {  	v44 =	vld [tilespmem:s9+$0x2820]  }
0xf4: {  	v45 =	vld [tilespmem:s9+$0x3020]  }
0xf5: {  	v46 =	vld [tilespmem:s9+$0x3820]  }
0xf6: {  	v47 =	vld [tilespmem:s9+$0x4020]  }
0xf7: {  	v48 =	vld [tilespmem:s9+$0x4820]  }
0xf8: {  	v49 =	vld [tilespmem:s9+$0x5020]  }
0xf9: {  	v50 =	vld [tilespmem:s9+$0x5820]  }
0xfa: {  	v51 =	vld [tilespmem:s9+$0x6020]  }
0xfb: {  	v52 =	vld [tilespmem:s9+$0x6820]  }
0xfc: {  	v53 =	vld [tilespmem:s9+$0x7020]  }
0xfd: {  	[tilespmem:v28+s20+$0x0] =	vst.idx.add.f32.msk $0xffff, v1  }
0xfe: {  	[tilespmem:v28+s21+$0x0] =	vst.idx.add.f32.msk $0xffff, v30  }
0xff: {  	[tilespmem:v28+s22+$0x0] =	vst.idx.add.f32.msk $0xffff, v31  }
0x100: {  	[tilespmem:v28+s23+$0x0] =	vst.idx.add.f32.msk $0xffff, v32  }
0x101: {  	[tilespmem:v28+s24+$0x0] =	vst.idx.add.f32.msk $0xffff, v33  }
0x102: {  	[tilespmem:v28+s25+$0x0] =	vst.idx.add.f32.msk $0xffff, v34  }
0x103: {  	[tilespmem:v28+s26+$0x0] =	vst.idx.add.f32.msk $0xffff, v35  }
0x104: {  	[tilespmem:v28+s28+$0x0] =	vst.idx.add.f32.msk $0xffff, v36  }
0x105: {  	[tilespmem:v28+s29+$0x0] =	vst.idx.add.f32.msk $0xffff, v37  }
0x106: {  	[tilespmem:v28+s30+$0x0] =	vst.idx.add.f32.msk $0xffff, v38  }
0x107: {  	[tilespmem:v28+s31+$0x0] =	vst.idx.add.f32.msk $0xffff, v39  }
0x108: {  	[tilespmem:v28+s1+$0x0] =	vst.idx.add.f32.msk $0xffff, v40  }
0x109: {  	[tilespmem:v28+s0+$0x0] =	vst.idx.add.f32.msk $0xffff, v41  }
0x10a: {  	[tilespmem:v29+s20+$0x0] =	vst.idx.add.f32.msk $0xffff, v1  }
0x10b: {  	[tilespmem:v29+s21+$0x0] =	vst.idx.add.f32.msk $0xffff, v42  }
0x10c: {  	[tilespmem:v29+s22+$0x0] =	vst.idx.add.f32.msk $0xffff, v43  }
0x10d: {  	[tilespmem:v29+s23+$0x0] =	vst.idx.add.f32.msk $0xffff, v44  }
0x10e: {  	[tilespmem:v29+s24+$0x0] =	vst.idx.add.f32.msk $0xffff, v45  }
0x10f: {  	[tilespmem:v29+s25+$0x0] =	vst.idx.add.f32.msk $0xffff, v46  }
0x110: {  	[tilespmem:v29+s26+$0x0] =	vst.idx.add.f32.msk $0xffff, v47  }
0x111: {  	[tilespmem:v29+s28+$0x0] =	vst.idx.add.f32.msk $0xffff, v48  }
0x112: {  	[tilespmem:v29+s29+$0x0] =	vst.idx.add.f32.msk $0xffff, v49  }
0x113: {  	[tilespmem:v29+s30+$0x0] =	vst.idx.add.f32.msk $0xffff, v50  }
0x114: {  	[tilespmem:v29+s31+$0x0] =	vst.idx.add.f32.msk $0xffff, v51  }
0x115: {  	[tilespmem:v29+s1+$0x0] =	vst.idx.add.f32.msk $0xffff, v52  }
0x116: {  	[tilespmem:v29+s0+$0x0] =	vst.idx.add.f32.msk $0xffff, v53  }
0x117: {  	[tilespmem:v15+s20+$0x0] =	vst.idx.add.f32.msk $0xffff, v1  }
0x118: {  	[tilespmem:v15+s21+$0x0] =	vst.idx.add.f32.msk $0xffff, v27  }
0x119: {  	[tilespmem:v15+s22+$0x0] =	vst.idx.add.f32.msk $0xffff, v26  }
0x11a: {  	[tilespmem:v15+s23+$0x0] =	vst.idx.add.f32.msk $0xffff, v24  }
0x11b: {  	[tilespmem:v15+s24+$0x0] =	vst.idx.add.f32.msk $0xffff, v22  }
0x11c: {  	[tilespmem:v15+s25+$0x0] =	vst.idx.add.f32.msk $0xffff, v25  }
0x11d: {  	[tilespmem:v15+s26+$0x0] =	vst.idx.add.f32.msk $0xffff, v23  }
.Ltmp1:
0x11e: {  	[tilespmem:v15+s28+$0x0] =	vst.idx.add.f32.msk $0xffff, v21;
	(pc) =	sbr.rel @p0 .LBB2_5-.Ltmp1, $4  }
0x11f: {  	[tilespmem:v15+s29+$0x0] =	vst.idx.add.f32.msk $0xffff, v19  }
0x120: {  	[tilespmem:v15+s30+$0x0] =	vst.idx.add.f32.msk $0xffff, v17  }
0x121: {  	[tilespmem:v15+s31+$0x0] =	vst.idx.add.f32.msk $0xffff, v20  }
0x122: {  	s8 =	sadd.s32 $0x100, s8;
	[tilespmem:v15+s1+$0x0] =	vst.idx.add.f32.msk $0xffff, v18  }
0x123: {  	_ =	sdelay $0x3  }
0x124: {  	[tilespmem:v15+s0+$0x0] =	vst.idx.add.f32.msk $0xffff, v16  }
.LBB2_7:
0x125: {  	s7 =	sshra.s32 s2, $0x2  }
0x126: {  	v15 =	vmov v2;
	v2 =	vld [tilespmem:s7+$0x7D0]  }
0x127: {  	v16 =	vmov v3;
	v3 =	vld [tilespmem:s7+$0x1FD0]  }
0x128: {  	v17 =	vmov v4;
	v4 =	vld [tilespmem:s7+$0x27D0]  }
0x129: {  	v18 =	vmov v7;
	v7 =	vld [tilespmem:s7+$0x2FD0]  }
0x12a: {  	v19 =	vmov v11;
	v11 =	vld [tilespmem:s7+$0x37D0]  }
0x12b: {  	v20 =	vmov v6;
	v6 =	vld [tilespmem:s7+$0x3FD0]  }
0x12c: {  	v21 =	vmov v10;
	v10 =	vld [tilespmem:s7+$0x47D0]  }
0x12d: {  	v22 =	vmov v12;
	v12 =	vld [tilespmem:s7+$0x4FD0]  }
0x12e: {  	v23 =	vmov v14;
	v14 =	vld [tilespmem:s7+$0x57D0]  }
0x12f: {  	v24 =	vmov v13;
	v13 =	vld [tilespmem:s7+$0x5FD0]  }
0x130: {  	v25 =	vmov v9;
	v9 =	vld [tilespmem:s7+$0x67D0]  }
0x131: {  	v26 =	vmov v8;
	v8 =	vld [tilespmem:s7+$0x6FD0]  }
0x132: {  	v27 =	vmov v5;
	v5 =	vld [tilespmem:s7+$0x77D0]  }
0x133: {  	[tilespmem:v15+s20+$0x0] =	vst.idx.add.f32.msk $0xffff, v1  }
0x134: {  	[tilespmem:v15+s21+$0x0] =	vst.idx.add.f32.msk $0xffff, v16  }
0x135: {  	[tilespmem:v15+s22+$0x0] =	vst.idx.add.f32.msk $0xffff, v17  }
0x136: {  	[tilespmem:v15+s23+$0x0] =	vst.idx.add.f32.msk $0xffff, v18  }
0x137: {  	[tilespmem:v15+s24+$0x0] =	vst.idx.add.f32.msk $0xffff, v19  }
0x138: {  	[tilespmem:v15+s25+$0x0] =	vst.idx.add.f32.msk $0xffff, v20  }
0x139: {  	[tilespmem:v15+s26+$0x0] =	vst.idx.add.f32.msk $0xffff, v21  }
0x13a: {  	p0 =	sne.s32 s2, $0x80;
	[tilespmem:v15+s28+$0x0] =	vst.idx.add.f32.msk $0xffff, v22  }
.Ltmp2:
0x13b: {  	[tilespmem:v15+s29+$0x0] =	vst.idx.add.f32.msk $0xffff, v23;
	(pc) =	sbr.rel @p0 .LBB2_7-.Ltmp2, $4  }
0x13c: {  	[tilespmem:v15+s30+$0x0] =	vst.idx.add.f32.msk $0xffff, v24  }
0x13d: {  	[tilespmem:v15+s31+$0x0] =	vst.idx.add.f32.msk $0xffff, v25  }
0x13e: {  	[tilespmem:v15+s1+$0x0] =	vst.idx.add.f32.msk $0xffff, v26  }
0x13f: {  	s2 =	sadd.s32 $0x40, s2;
	[tilespmem:v15+s0+$0x0] =	vst.idx.add.f32.msk $0xffff, v27  }
0x140: {  	_ =	sdelay $0x3  }
0x141: {  	[tilespmem:v2+s20+$0x0] =	vst.idx.add.f32.msk $0xffff, v1  }
0x142: {  	[tilespmem:v2+s21+$0x0] =	vst.idx.add.f32.msk $0xffff, v3  }
0x143: {  	[tilespmem:v2+s22+$0x0] =	vst.idx.add.f32.msk $0xffff, v4  }
0x144: {  	[tilespmem:v2+s23+$0x0] =	vst.idx.add.f32.msk $0xffff, v7  }
0x145: {  	[tilespmem:v2+s24+$0x0] =	vst.idx.add.f32.msk $0xffff, v11  }
0x146: {  	[tilespmem:v2+s25+$0x0] =	vst.idx.add.f32.msk $0xffff, v6  }
0x147: {  	[tilespmem:v2+s26+$0x0] =	vst.idx.add.f32.msk $0xffff, v10  }
0x148: {  	[tilespmem:v2+s28+$0x0] =	vst.idx.add.f32.msk $0xffff, v12  }
0x149: {  	p0 =	seq.s32 s11, $0x17;
	[tilespmem:v2+s29+$0x0] =	vst.idx.add.f32.msk $0xffff, v14  }
0x14a: {  	s2 =	sadd.s32 @!p0 $0x1800, s12;
	[tilespmem:v2+s30+$0x0] =	vst.idx.add.f32.msk $0xffff, v13  }
0x14b: {  	s7 =	sadd.s32 @!p0 s4, s2;
	[tilespmem:v2+s31+$0x0] =	vst.idx.add.f32.msk $0xffff, v9  }
0x14c: {  	s8 =	simm.s32 @!p0 $0x0;
	s2 =	sadd.s32 @!p0 s6, s2;
	s7 =	sshrl.u32 @!p0 s7, $0x3;
	[tilespmem:v2+s1+$0x0] =	vst.idx.add.f32.msk $0xffff, v8  }
0x14d: {  	s9 =	simm.s32 @!p0 $0x1800;
	s2 =	sshrl.u32 @!p0 s2, $0x3;
	s7 =	sadd.s32 @!p0 s5, s7;
	[tilespmem:v2+s0+$0x0] =	vst.idx.add.f32.msk $0xffff, v5  }
0x14e: {  	[tilespmem:s8], [sflag:$0x1] =	stream.linear.gather @!p0 [hbm4b:s7+s8], $0x800, $0x38;
	[tilespmem:$0x19C00] =	vst v63  }
0x14f: {  	s2 =	sadd.s32 @!p0 s3, s2;
	s7 =	simm.s32 @!p0 $0x800;
	s8 =	simm.s32 @!p0 $0x24000  }
0x150: {  	[tilespmem:s9], [sflag:$0x1] =	stream.strided.gather @!p0 [hbm4b:s2+s7], $0x6000, s8, s7, $0x38;
	[tilespmem:$0x19C00] =	vst v63  }
0x151: {  	_ =	swait.ge [sflag:s15], $0x800  }
0x152: {  	[sflag:s15] =	ssyncset.done $0x0  }
0x153: {  	[sflag:s15] =	ssyncadd.s32 $0xFFFFF800  }
0x154: {  	_ =	swait.ge [sflag:s15], $0x6000  }
0x155: {  	[sflag:s15] =	ssyncset.done $0x0  }
0x156: {  	[sflag:s15] =	ssyncadd.s32 $0xFFFFA000  }
0x157: {  	v15 =	vld [tilespmem:$0x800]  }
0x158: {  	v17 =	vld [tilespmem:$0x7800]  }
0x159: {  	v18 =	vld [tilespmem:$0x8000]  }
0x15a: {  	v19 =	vld [tilespmem:$0x8800]  }
0x15b: {  	v20 =	vld [tilespmem:$0x9000]  }
0x15c: {  	v21 =	vld [tilespmem:$0x9800]  }
0x15d: {  	v22 =	vld [tilespmem:$0xA000]  }
0x15e: {  	v23 =	vld [tilespmem:$0xA800]  }
0x15f: {  	v24 =	vld [tilespmem:$0xB000]  }
0x160: {  	v25 =	vld [tilespmem:$0xB800]  }
0x161: {  	v26 =	vld [tilespmem:$0xC000]  }
0x162: {  	v27 =	vld [tilespmem:$0xC800]  }
0x163: {  	s9 =	simm.s32 $0x0;
	v16 =	vld [tilespmem:$0xD000]  }
0x164: {  	v2 =	vld [tilespmem:s9+$0x840]  }
0x165: {  	v3 =	vld [tilespmem:s9+$0x7840]  }
0x166: {  	v4 =	vld [tilespmem:s9+$0x8040]  }
0x167: {  	v6 =	vld [tilespmem:s9+$0x8840]  }
0x168: {  	v9 =	vld [tilespmem:s9+$0x9040]  }
0x169: {  	v5 =	vld [tilespmem:s9+$0x9840]  }
0x16a: {  	v8 =	vld [tilespmem:s9+$0xA040]  }
0x16b: {  	v12 =	vld [tilespmem:s9+$0xA840]  }
0x16c: {  	v13 =	vld [tilespmem:s9+$0xB040]  }
0x16d: {  	v14 =	vld [tilespmem:s9+$0xB840]  }
0x16e: {  	v11 =	vld [tilespmem:s9+$0xC040]  }
0x16f: {  	v10 =	vld [tilespmem:s9+$0xC840]  }
0x170: {  	v7 =	vld [tilespmem:s9+$0xD040]  }
0x171: {  	v28 =	vld [tilespmem:s9+$0x7830]  }
0x172: {  	v29 =	vld [tilespmem:s9+$0x8030]  }
0x173: {  	v30 =	vld [tilespmem:s9+$0x8830]  }
0x174: {  	v31 =	vld [tilespmem:s9+$0x9030]  }
0x175: {  	v32 =	vld [tilespmem:s9+$0x9830]  }
0x176: {  	v33 =	vld [tilespmem:s9+$0x830]  }
0x177: {  	v34 =	vld [tilespmem:s9+$0xA030]  }
0x178: {  	v35 =	vld [tilespmem:s9+$0xA830]  }
0x179: {  	v36 =	vld [tilespmem:s9+$0xB030]  }
0x17a: {  	v37 =	vld [tilespmem:s9+$0xB830]  }
0x17b: {  	v38 =	vld [tilespmem:s9+$0xC030]  }
0x17c: {  	v39 =	vld [tilespmem:s9+$0xC830]  }
0x17d: {  	v40 =	vld [tilespmem:s9+$0xD030]  }
0x17e: {  	v56 =	vld [tilespmem:s9+$0x9010]  }
0x17f: {  	v57 =	vld [tilespmem:s9+$0x9810]  }
0x180: {  	v58 =	vld [tilespmem:s9+$0xA010]  }
0x181: {  	v59 =	vld [tilespmem:s9+$0xA810]  }
0x182: {  	v60 =	vld [tilespmem:s9+$0xB010]  }
0x183: {  	v61 =	vld [tilespmem:s9+$0xB810]  }
0x184: {  	v62 =	vld [tilespmem:s9+$0xC010]  }
0x185: {  	v63 =	vld [tilespmem:s9+$0xC810]  }
0x186: {  	v41 =	vld [tilespmem:s9+$0xD010]  }
0x187: {  	v42 =	vld [tilespmem:s9+$0x7820]  }
0x188: {  	v43 =	vld [tilespmem:s9+$0x8020]  }
0x189: {  	v44 =	vld [tilespmem:s9+$0x8820]  }
0x18a: {  	v45 =	vld [tilespmem:s9+$0x9020]  }
0x18b: {  	v46 =	vld [tilespmem:s9+$0x9820]  }
0x18c: {  	v47 =	vld [tilespmem:s9+$0xA020]  }
0x18d: {  	v48 =	vld [tilespmem:s9+$0xA820]  }
0x18e: {  	v49 =	vld [tilespmem:s9+$0xB020]  }
0x18f: {  	v50 =	vld [tilespmem:s9+$0xB820]  }
0x190: {  	v51 =	vld [tilespmem:s9+$0xC020]  }
0x191: {  	v52 =	vld [tilespmem:s9+$0xC820]  }
0x192: {  	v53 =	vld [tilespmem:s9+$0xD020]  }
0x193: {  	[tilespmem:v33+s20+$0x0] =	vst.idx.add.f32.msk $0xffff, v1  }
0x194: {  	[tilespmem:v33+s21+$0x0] =	vst.idx.add.f32.msk $0xffff, v28  }
0x195: {  	v28 =	vld [tilespmem:s9+$0x810]  }
0x196: {  	[tilespmem:v33+s22+$0x0] =	vst.idx.add.f32.msk $0xffff, v29  }
0x197: {  	v29 =	vld [tilespmem:s9+$0x820]  }
0x198: {  	[tilespmem:v33+s23+$0x0] =	vst.idx.add.f32.msk $0xffff, v30  }
0x199: {  	v30 =	vld [tilespmem:s9+$0x7810]  }
0x19a: {  	[tilespmem:v33+s24+$0x0] =	vst.idx.add.f32.msk $0xffff, v31  }
0x19b: {  	v31 =	vld [tilespmem:s9+$0x8010]  }
0x19c: {  	[tilespmem:v33+s25+$0x0] =	vst.idx.add.f32.msk $0xffff, v32  }
0x19d: {  	v32 =	vld [tilespmem:s9+$0x8810]  }
0x19e: {  	[tilespmem:v15+s20+$0x0] =	vst.idx.add.f32.msk $0xffff, v1  }
0x19f: {  	[tilespmem:v33+s26+$0x0] =	vst.idx.add.f32.msk $0xffff, v34  }
0x1a0: {  	[tilespmem:v15+s21+$0x0] =	vst.idx.add.f32.msk $0xffff, v17  }
0x1a1: {  	[tilespmem:v33+s28+$0x0] =	vst.idx.add.f32.msk $0xffff, v35  }
0x1a2: {  	[tilespmem:v15+s22+$0x0] =	vst.idx.add.f32.msk $0xffff, v18  }
0x1a3: {  	[tilespmem:v33+s29+$0x0] =	vst.idx.add.f32.msk $0xffff, v36  }
0x1a4: {  	[tilespmem:v15+s23+$0x0] =	vst.idx.add.f32.msk $0xffff, v19  }
0x1a5: {  	[tilespmem:v33+s30+$0x0] =	vst.idx.add.f32.msk $0xffff, v37  }
0x1a6: {  	[tilespmem:v28+s20+$0x0] =	vst.idx.add.f32.msk $0xffff, v1  }
0x1a7: {  	[tilespmem:v15+s24+$0x0] =	vst.idx.add.f32.msk $0xffff, v20  }
0x1a8: {  	[tilespmem:v33+s31+$0x0] =	vst.idx.add.f32.msk $0xffff, v38  }
0x1a9: {  	[tilespmem:v28+s21+$0x0] =	vst.idx.add.f32.msk $0xffff, v30  }
0x1aa: {  	[tilespmem:v29+s20+$0x0] =	vst.idx.add.f32.msk $0xffff, v1  }
0x1ab: {  	[tilespmem:v15+s25+$0x0] =	vst.idx.add.f32.msk $0xffff, v21  }
0x1ac: {  	[tilespmem:v33+s1+$0x0] =	vst.idx.add.f32.msk $0xffff, v39  }
0x1ad: {  	[tilespmem:v28+s22+$0x0] =	vst.idx.add.f32.msk $0xffff, v31  }
0x1ae: {  	[tilespmem:v29+s21+$0x0] =	vst.idx.add.f32.msk $0xffff, v42  }
0x1af: {  	[tilespmem:v15+s26+$0x0] =	vst.idx.add.f32.msk $0xffff, v22  }
0x1b0: {  	[tilespmem:v33+s0+$0x0] =	vst.idx.add.f32.msk $0xffff, v40  }
0x1b1: {  	[tilespmem:v28+s23+$0x0] =	vst.idx.add.f32.msk $0xffff, v32  }
0x1b2: {  	[tilespmem:v29+s22+$0x0] =	vst.idx.add.f32.msk $0xffff, v43  }
0x1b3: {  	[tilespmem:v15+s28+$0x0] =	vst.idx.add.f32.msk $0xffff, v23  }
0x1b4: {  	[tilespmem:v28+s24+$0x0] =	vst.idx.add.f32.msk $0xffff, v56  }
0x1b5: {  	[tilespmem:v29+s23+$0x0] =	vst.idx.add.f32.msk $0xffff, v44  }
0x1b6: {  	[tilespmem:v15+s29+$0x0] =	vst.idx.add.f32.msk $0xffff, v24  }
0x1b7: {  	[tilespmem:v28+s25+$0x0] =	vst.idx.add.f32.msk $0xffff, v57  }
0x1b8: {  	[tilespmem:v29+s24+$0x0] =	vst.idx.add.f32.msk $0xffff, v45  }
0x1b9: {  	[tilespmem:v15+s30+$0x0] =	vst.idx.add.f32.msk $0xffff, v25  }
0x1ba: {  	[tilespmem:v28+s26+$0x0] =	vst.idx.add.f32.msk $0xffff, v58  }
0x1bb: {  	[tilespmem:v29+s25+$0x0] =	vst.idx.add.f32.msk $0xffff, v46  }
0x1bc: {  	[tilespmem:v15+s31+$0x0] =	vst.idx.add.f32.msk $0xffff, v26  }
0x1bd: {  	[tilespmem:v28+s28+$0x0] =	vst.idx.add.f32.msk $0xffff, v59  }
0x1be: {  	[tilespmem:v29+s26+$0x0] =	vst.idx.add.f32.msk $0xffff, v47  }
0x1bf: {  	[tilespmem:v15+s1+$0x0] =	vst.idx.add.f32.msk $0xffff, v27  }
0x1c0: {  	[tilespmem:v28+s29+$0x0] =	vst.idx.add.f32.msk $0xffff, v60  }
0x1c1: {  	[tilespmem:v29+s28+$0x0] =	vst.idx.add.f32.msk $0xffff, v48  }
0x1c2: {  	[tilespmem:v28+s30+$0x0] =	vst.idx.add.f32.msk $0xffff, v61  }
0x1c3: {  	[tilespmem:v29+s29+$0x0] =	vst.idx.add.f32.msk $0xffff, v49  }
0x1c4: {  	[tilespmem:v28+s31+$0x0] =	vst.idx.add.f32.msk $0xffff, v62  }
0x1c5: {  	[tilespmem:v29+s30+$0x0] =	vst.idx.add.f32.msk $0xffff, v50  }
0x1c6: {  	[tilespmem:v28+s1+$0x0] =	vst.idx.add.f32.msk $0xffff, v63  }
0x1c7: {  	[tilespmem:v29+s31+$0x0] =	vst.idx.add.f32.msk $0xffff, v51  }
0x1c8: {  	[tilespmem:v28+s0+$0x0] =	vst.idx.add.f32.msk $0xffff, v41  }
0x1c9: {  	[tilespmem:v29+s1+$0x0] =	vst.idx.add.f32.msk $0xffff, v52  }
0x1ca: {  	s7 =	simm.s32 $0x0;
	s8 =	simm.s32 $0x0;
	s2 =	simm.s32 $0x100;
	[tilespmem:v29+s0+$0x0] =	vst.idx.add.f32.msk $0xffff, v53  }
.LBB2_9:
0x1cb: {  	s9 =	sshra.s32 s2, $0x2;
	[tilespmem:v15+s0+$0x0] =	vst.idx.add.f32.msk $0xffff, v16;
	v15 =	vmovc v2;
	v27 =	vmovc v3;
	v26 =	vmov v4;
	v24 =	vmov v6;
	v22 =	vmov v9  }
0x1cc: {  	v25 =	vmovc v5;
	v23 =	vmovc v8;
	v21 =	vmov v12;
	v19 =	vmov v13;
	v17 =	vmov v14;
	v2 =	vld [tilespmem:s9+$0x840]  }
0x1cd: {  	v20 =	vmov v11;
	v18 =	vmov v10;
	v16 =	vmov v7;
	v3 =	vld [tilespmem:s9+$0x7840]  }
0x1ce: {  	v4 =	vld [tilespmem:s9+$0x8040]  }
0x1cf: {  	v6 =	vld [tilespmem:s9+$0x8840]  }
0x1d0: {  	v9 =	vld [tilespmem:s9+$0x9040]  }
0x1d1: {  	v5 =	vld [tilespmem:s9+$0x9840]  }
0x1d2: {  	v8 =	vld [tilespmem:s9+$0xA040]  }
0x1d3: {  	v12 =	vld [tilespmem:s9+$0xA840]  }
0x1d4: {  	v13 =	vld [tilespmem:s9+$0xB040]  }
0x1d5: {  	v14 =	vld [tilespmem:s9+$0xB840]  }
0x1d6: {  	v11 =	vld [tilespmem:s9+$0xC040]  }
0x1d7: {  	v10 =	vld [tilespmem:s9+$0xC840]  }
0x1d8: {  	v7 =	vld [tilespmem:s9+$0xD040]  }
0x1d9: {  	v28 =	vld [tilespmem:s9+$0x7830]  }
0x1da: {  	v29 =	vld [tilespmem:s9+$0x8030]  }
0x1db: {  	v30 =	vld [tilespmem:s9+$0x8830]  }
0x1dc: {  	v31 =	vld [tilespmem:s9+$0x9030]  }
0x1dd: {  	v32 =	vld [tilespmem:s9+$0x9830]  }
0x1de: {  	v33 =	vld [tilespmem:s9+$0x830]  }
0x1df: {  	v34 =	vld [tilespmem:s9+$0xA030]  }
0x1e0: {  	v35 =	vld [tilespmem:s9+$0xA830]  }
0x1e1: {  	v36 =	vld [tilespmem:s9+$0xB030]  }
0x1e2: {  	v37 =	vld [tilespmem:s9+$0xB830]  }
0x1e3: {  	v38 =	vld [tilespmem:s9+$0xC030]  }
0x1e4: {  	v39 =	vld [tilespmem:s9+$0xC830]  }
0x1e5: {  	v40 =	vld [tilespmem:s9+$0xD030]  }
0x1e6: {  	[tilespmem:v33+s20+$0x0] =	vst.idx.add.f32.msk $0xffff, v1  }
0x1e7: {  	[tilespmem:v33+s21+$0x0] =	vst.idx.add.f32.msk $0xffff, v28  }
0x1e8: {  	[tilespmem:v33+s22+$0x0] =	vst.idx.add.f32.msk $0xffff, v29  }
0x1e9: {  	s8 =	sadd.s32 $0x4, s8;
	[tilespmem:v33+s23+$0x0] =	vst.idx.add.f32.msk $0xffff, v30  }
0x1ea: {  	p1 =	slt.u32 s8, $0x78;
	[tilespmem:v33+s24+$0x0] =	vst.idx.add.f32.msk $0xffff, v31  }
0x1eb: {  	[tilespmem:v33+s25+$0x0] =	vst.idx.add.f32.msk $0xffff, v32  }
0x1ec: {  	[tilespmem:v33+s26+$0x0] =	vst.idx.add.f32.msk $0xffff, v34  }
0x1ed: {  	[tilespmem:v33+s28+$0x0] =	vst.idx.add.f32.msk $0xffff, v35  }
0x1ee: {  	[tilespmem:v33+s29+$0x0] =	vst.idx.add.f32.msk $0xffff, v36  }
0x1ef: {  	[tilespmem:v33+s30+$0x0] =	vst.idx.add.f32.msk $0xffff, v37  }
0x1f0: {  	[tilespmem:v33+s31+$0x0] =	vst.idx.add.f32.msk $0xffff, v38  }
0x1f1: {  	[tilespmem:v33+s1+$0x0] =	vst.idx.add.f32.msk $0xffff, v39  }
0x1f2: {  	[tilespmem:v33+s0+$0x0] =	vst.idx.add.f32.msk $0xffff, v40  }
0x1f3: {  	v28 =	vld [tilespmem:s9+$0x810]  }
0x1f4: {  	v29 =	vld [tilespmem:s9+$0x820]  }
0x1f5: {  	v30 =	vld [tilespmem:s9+$0x7810]  }
0x1f6: {  	v31 =	vld [tilespmem:s9+$0x8010]  }
0x1f7: {  	v32 =	vld [tilespmem:s9+$0x8810]  }
0x1f8: {  	v33 =	vld [tilespmem:s9+$0x9010]  }
0x1f9: {  	v34 =	vld [tilespmem:s9+$0x9810]  }
0x1fa: {  	v35 =	vld [tilespmem:s9+$0xA010]  }
0x1fb: {  	v36 =	vld [tilespmem:s9+$0xA810]  }
0x1fc: {  	v37 =	vld [tilespmem:s9+$0xB010]  }
0x1fd: {  	v38 =	vld [tilespmem:s9+$0xB810]  }
0x1fe: {  	v39 =	vld [tilespmem:s9+$0xC010]  }
0x1ff: {  	v40 =	vld [tilespmem:s9+$0xC810]  }
0x200: {  	v41 =	vld [tilespmem:s9+$0xD010]  }
0x201: {  	v42 =	vld [tilespmem:s9+$0x7820]  }
0x202: {  	v43 =	vld [tilespmem:s9+$0x8020]  }
0x203: {  	v44 =	vld [tilespmem:s9+$0x8820]  }
0x204: {  	v45 =	vld [tilespmem:s9+$0x9020]  }
0x205: {  	v46 =	vld [tilespmem:s9+$0x9820]  }
0x206: {  	v47 =	vld [tilespmem:s9+$0xA020]  }
0x207: {  	v48 =	vld [tilespmem:s9+$0xA820]  }
0x208: {  	v49 =	vld [tilespmem:s9+$0xB020]  }
0x209: {  	v50 =	vld [tilespmem:s9+$0xB820]  }
0x20a: {  	v51 =	vld [tilespmem:s9+$0xC020]  }
0x20b: {  	v52 =	vld [tilespmem:s9+$0xC820]  }
0x20c: {  	v53 =	vld [tilespmem:s9+$0xD020]  }
0x20d: {  	[tilespmem:v28+s20+$0x0] =	vst.idx.add.f32.msk $0xffff, v1  }
0x20e: {  	[tilespmem:v28+s21+$0x0] =	vst.idx.add.f32.msk $0xffff, v30  }
0x20f: {  	[tilespmem:v28+s22+$0x0] =	vst.idx.add.f32.msk $0xffff, v31  }
0x210: {  	[tilespmem:v28+s23+$0x0] =	vst.idx.add.f32.msk $0xffff, v32  }
0x211: {  	[tilespmem:v28+s24+$0x0] =	vst.idx.add.f32.msk $0xffff, v33  }
0x212: {  	[tilespmem:v28+s25+$0x0] =	vst.idx.add.f32.msk $0xffff, v34  }
0x213: {  	[tilespmem:v28+s26+$0x0] =	vst.idx.add.f32.msk $0xffff, v35  }
0x214: {  	[tilespmem:v28+s28+$0x0] =	vst.idx.add.f32.msk $0xffff, v36  }
0x215: {  	[tilespmem:v28+s29+$0x0] =	vst.idx.add.f32.msk $0xffff, v37  }
0x216: {  	[tilespmem:v28+s30+$0x0] =	vst.idx.add.f32.msk $0xffff, v38  }
0x217: {  	[tilespmem:v28+s31+$0x0] =	vst.idx.add.f32.msk $0xffff, v39  }
0x218: {  	[tilespmem:v28+s1+$0x0] =	vst.idx.add.f32.msk $0xffff, v40  }
0x219: {  	[tilespmem:v28+s0+$0x0] =	vst.idx.add.f32.msk $0xffff, v41  }
0x21a: {  	[tilespmem:v29+s20+$0x0] =	vst.idx.add.f32.msk $0xffff, v1  }
0x21b: {  	[tilespmem:v29+s21+$0x0] =	vst.idx.add.f32.msk $0xffff, v42  }
0x21c: {  	[tilespmem:v29+s22+$0x0] =	vst.idx.add.f32.msk $0xffff, v43  }
0x21d: {  	[tilespmem:v29+s23+$0x0] =	vst.idx.add.f32.msk $0xffff, v44  }
0x21e: {  	[tilespmem:v29+s24+$0x0] =	vst.idx.add.f32.msk $0xffff, v45  }
0x21f: {  	[tilespmem:v29+s25+$0x0] =	vst.idx.add.f32.msk $0xffff, v46  }
0x220: {  	[tilespmem:v29+s26+$0x0] =	vst.idx.add.f32.msk $0xffff, v47  }
0x221: {  	[tilespmem:v29+s28+$0x0] =	vst.idx.add.f32.msk $0xffff, v48  }
0x222: {  	[tilespmem:v29+s29+$0x0] =	vst.idx.add.f32.msk $0xffff, v49  }
0x223: {  	[tilespmem:v29+s30+$0x0] =	vst.idx.add.f32.msk $0xffff, v50  }
0x224: {  	[tilespmem:v29+s31+$0x0] =	vst.idx.add.f32.msk $0xffff, v51  }
0x225: {  	[tilespmem:v29+s1+$0x0] =	vst.idx.add.f32.msk $0xffff, v52  }
0x226: {  	[tilespmem:v29+s0+$0x0] =	vst.idx.add.f32.msk $0xffff, v53  }
0x227: {  	[tilespmem:v15+s20+$0x0] =	vst.idx.add.f32.msk $0xffff, v1  }
0x228: {  	[tilespmem:v15+s21+$0x0] =	vst.idx.add.f32.msk $0xffff, v27  }
0x229: {  	[tilespmem:v15+s22+$0x0] =	vst.idx.add.f32.msk $0xffff, v26  }
0x22a: {  	[tilespmem:v15+s23+$0x0] =	vst.idx.add.f32.msk $0xffff, v24  }
0x22b: {  	[tilespmem:v15+s24+$0x0] =	vst.idx.add.f32.msk $0xffff, v22  }
0x22c: {  	[tilespmem:v15+s25+$0x0] =	vst.idx.add.f32.msk $0xffff, v25  }
0x22d: {  	[tilespmem:v15+s26+$0x0] =	vst.idx.add.f32.msk $0xffff, v23  }
.Ltmp3:
0x22e: {  	[tilespmem:v15+s28+$0x0] =	vst.idx.add.f32.msk $0xffff, v21;
	(pc) =	sbr.rel @p1 .LBB2_9-.Ltmp3, $4  }
0x22f: {  	[tilespmem:v15+s29+$0x0] =	vst.idx.add.f32.msk $0xffff, v19  }
0x230: {  	[tilespmem:v15+s30+$0x0] =	vst.idx.add.f32.msk $0xffff, v17  }
0x231: {  	[tilespmem:v15+s31+$0x0] =	vst.idx.add.f32.msk $0xffff, v20  }
0x232: {  	s2 =	sadd.s32 $0x100, s2;
	[tilespmem:v15+s1+$0x0] =	vst.idx.add.f32.msk $0xffff, v18  }
0x233: {  	_ =	sdelay $0x3  }
0x234: {  	[tilespmem:v15+s0+$0x0] =	vst.idx.add.f32.msk $0xffff, v16  }
.LBB2_11:
0x235: {  	s2 =	sshra.s32 s7, $0x2  }
0x236: {  	v15 =	vmov v2;
	v2 =	vld [tilespmem:s2+$0xFD0]  }
0x237: {  	v16 =	vmov v3;
	v3 =	vld [tilespmem:s2+$0x7FD0]  }
0x238: {  	v17 =	vmov v4;
	v4 =	vld [tilespmem:s2+$0x87D0]  }
0x239: {  	v18 =	vmov v6;
	v6 =	vld [tilespmem:s2+$0x8FD0]  }
0x23a: {  	v19 =	vmov v9;
	v9 =	vld [tilespmem:s2+$0x97D0]  }
0x23b: {  	v20 =	vmov v5;
	v5 =	vld [tilespmem:s2+$0x9FD0]  }
0x23c: {  	v21 =	vmov v8;
	v8 =	vld [tilespmem:s2+$0xA7D0]  }
0x23d: {  	v22 =	vmov v12;
	v12 =	vld [tilespmem:s2+$0xAFD0]  }
0x23e: {  	v23 =	vmov v13;
	v13 =	vld [tilespmem:s2+$0xB7D0]  }
0x23f: {  	v24 =	vmov v14;
	v14 =	vld [tilespmem:s2+$0xBFD0]  }
0x240: {  	v25 =	vmov v11;
	v11 =	vld [tilespmem:s2+$0xC7D0]  }
0x241: {  	v26 =	vmov v10;
	v10 =	vld [tilespmem:s2+$0xCFD0]  }
0x242: {  	v27 =	vmov v7;
	v7 =	vld [tilespmem:s2+$0xD7D0]  }
0x243: {  	[tilespmem:v15+s20+$0x0] =	vst.idx.add.f32.msk $0xffff, v1  }
0x244: {  	[tilespmem:v15+s21+$0x0] =	vst.idx.add.f32.msk $0xffff, v16  }
0x245: {  	[tilespmem:v15+s22+$0x0] =	vst.idx.add.f32.msk $0xffff, v17  }
0x246: {  	[tilespmem:v15+s23+$0x0] =	vst.idx.add.f32.msk $0xffff, v18  }
0x247: {  	[tilespmem:v15+s24+$0x0] =	vst.idx.add.f32.msk $0xffff, v19  }
0x248: {  	[tilespmem:v15+s25+$0x0] =	vst.idx.add.f32.msk $0xffff, v20  }
0x249: {  	[tilespmem:v15+s26+$0x0] =	vst.idx.add.f32.msk $0xffff, v21  }
0x24a: {  	p1 =	sne.s32 s7, $0x80;
	[tilespmem:v15+s28+$0x0] =	vst.idx.add.f32.msk $0xffff, v22  }
.Ltmp4:
0x24b: {  	[tilespmem:v15+s29+$0x0] =	vst.idx.add.f32.msk $0xffff, v23;
	(pc) =	sbr.rel @p1 .LBB2_11-.Ltmp4, $4  }
0x24c: {  	[tilespmem:v15+s30+$0x0] =	vst.idx.add.f32.msk $0xffff, v24  }
0x24d: {  	[tilespmem:v15+s31+$0x0] =	vst.idx.add.f32.msk $0xffff, v25  }
0x24e: {  	[tilespmem:v15+s1+$0x0] =	vst.idx.add.f32.msk $0xffff, v26  }
0x24f: {  	s7 =	sadd.s32 $0x40, s7;
	[tilespmem:v15+s0+$0x0] =	vst.idx.add.f32.msk $0xffff, v27  }
0x250: {  	_ =	sdelay $0x3  }
0x251: {  	[tilespmem:v2+s20+$0x0] =	vst.idx.add.f32.msk $0xffff, v1  }
0x252: {  	[tilespmem:v2+s21+$0x0] =	vst.idx.add.f32.msk $0xffff, v3  }
0x253: {  	[tilespmem:v2+s22+$0x0] =	vst.idx.add.f32.msk $0xffff, v4  }
0x254: {  	[tilespmem:v2+s23+$0x0] =	vst.idx.add.f32.msk $0xffff, v6  }
0x255: {  	[tilespmem:v2+s24+$0x0] =	vst.idx.add.f32.msk $0xffff, v9  }
0x256: {  	[tilespmem:v2+s25+$0x0] =	vst.idx.add.f32.msk $0xffff, v5  }
0x257: {  	[tilespmem:v2+s26+$0x0] =	vst.idx.add.f32.msk $0xffff, v8  }
0x258: {  	[tilespmem:v2+s28+$0x0] =	vst.idx.add.f32.msk $0xffff, v12  }
0x259: {  	[tilespmem:v2+s29+$0x0] =	vst.idx.add.f32.msk $0xffff, v13  }
0x25a: {  	s2 =	sadd.s32 @!p0 $0x2000, s12;
	[tilespmem:v2+s30+$0x0] =	vst.idx.add.f32.msk $0xffff, v14  }
0x25b: {  	s7 =	sadd.s32 @!p0 s4, s2;
	[tilespmem:v2+s31+$0x0] =	vst.idx.add.f32.msk $0xffff, v11  }
0x25c: {  	s8 =	simm.s32 @!p0 $0x0;
	s2 =	sadd.s32 @!p0 s6, s2;
	s7 =	sshrl.u32 @!p0 s7, $0x3;
	[tilespmem:v2+s1+$0x0] =	vst.idx.add.f32.msk $0xffff, v10  }
0x25d: {  	s9 =	simm.s32 @!p0 $0x800;
	s2 =	sshrl.u32 @!p0 s2, $0x3;
	s7 =	sadd.s32 @!p0 s5, s7;
	[tilespmem:v2+s0+$0x0] =	vst.idx.add.f32.msk $0xffff, v7  }
0x25e: {  	[tilespmem:s9], [sflag:$0x2] =	stream.linear.gather @!p0 [hbm4b:s7+s8], $0x800, $0x38;
	[tilespmem:$0x19C00] =	vst v63  }
0x25f: {  	s2 =	sadd.s32 @!p0 s3, s2;
	s7 =	simm.s32 @!p0 $0x24000;
	s8 =	simm.s32 @!p0 $0x7800  }
0x260: {  	[tilespmem:s8], [sflag:$0x2] =	stream.strided.gather @!p0 [hbm4b:s2+s9], $0x6000, s7, s9, $0x38;
	[tilespmem:$0x19C00] =	vst v63  }
0x261: {  	_ =	swait.ge [sflag:s16], $0x800  }
0x262: {  	[sflag:s16] =	ssyncset.done $0x0  }
0x263: {  	[sflag:s16] =	ssyncadd.s32 $0xFFFFF800  }
0x264: {  	_ =	swait.ge [sflag:s16], $0x6000  }
0x265: {  	[sflag:s16] =	ssyncset.done $0x0  }
0x266: {  	[sflag:s16] =	ssyncadd.s32 $0xFFFFA000  }
0x267: {  	v15 =	vld [tilespmem:$0x1000]  }
0x268: {  	v17 =	vld [tilespmem:$0xD800]  }
0x269: {  	v18 =	vld [tilespmem:$0xE000]  }
0x26a: {  	v19 =	vld [tilespmem:$0xE800]  }
0x26b: {  	v20 =	vld [tilespmem:$0xF000]  }
0x26c: {  	v21 =	vld [tilespmem:$0xF800]  }
0x26d: {  	v22 =	vld [tilespmem:$0x10000]  }
0x26e: {  	v23 =	vld [tilespmem:$0x10800]  }
0x26f: {  	v24 =	vld [tilespmem:$0x11000]  }
0x270: {  	v25 =	vld [tilespmem:$0x11800]  }
0x271: {  	v26 =	vld [tilespmem:$0x12000]  }
0x272: {  	v27 =	vld [tilespmem:$0x12800]  }
0x273: {  	s12 =	simm.s32 $0x0;
	v16 =	vld [tilespmem:$0x13000]  }
0x274: {  	v2 =	vld [tilespmem:s12+$0x1040]  }
0x275: {  	v3 =	vld [tilespmem:s12+$0xD840]  }
0x276: {  	v4 =	vld [tilespmem:s12+$0xE040]  }
0x277: {  	v6 =	vld [tilespmem:s12+$0xE840]  }
0x278: {  	v8 =	vld [tilespmem:s12+$0xF040]  }
0x279: {  	v5 =	vld [tilespmem:s12+$0xF840]  }
0x27a: {  	v7 =	vld [tilespmem:s12+$0x10040]  }
0x27b: {  	v10 =	vld [tilespmem:s12+$0x10840]  }
0x27c: {  	v13 =	vld [tilespmem:s12+$0x11040]  }
0x27d: {  	v14 =	vld [tilespmem:s12+$0x11840]  }
0x27e: {  	v12 =	vld [tilespmem:s12+$0x12040]  }
0x27f: {  	v11 =	vld [tilespmem:s12+$0x12840]  }
0x280: {  	v9 =	vld [tilespmem:s12+$0x13040]  }
0x281: {  	v28 =	vld [tilespmem:s12+$0xD830]  }
0x282: {  	v29 =	vld [tilespmem:s12+$0xE030]  }
0x283: {  	v30 =	vld [tilespmem:s12+$0xE830]  }
0x284: {  	v31 =	vld [tilespmem:s12+$0xF030]  }
0x285: {  	v32 =	vld [tilespmem:s12+$0xF830]  }
0x286: {  	v33 =	vld [tilespmem:s12+$0x1030]  }
0x287: {  	v34 =	vld [tilespmem:s12+$0x10030]  }
0x288: {  	v35 =	vld [tilespmem:s12+$0x10830]  }
0x289: {  	v36 =	vld [tilespmem:s12+$0x11030]  }
0x28a: {  	v37 =	vld [tilespmem:s12+$0x11830]  }
0x28b: {  	v38 =	vld [tilespmem:s12+$0x12030]  }
0x28c: {  	v39 =	vld [tilespmem:s12+$0x12830]  }
0x28d: {  	v40 =	vld [tilespmem:s12+$0x13030]  }
0x28e: {  	v56 =	vld [tilespmem:s12+$0xF010]  }
0x28f: {  	v57 =	vld [tilespmem:s12+$0xF810]  }
0x290: {  	v58 =	vld [tilespmem:s12+$0x10010]  }
0x291: {  	v59 =	vld [tilespmem:s12+$0x10810]  }
0x292: {  	v60 =	vld [tilespmem:s12+$0x11010]  }
0x293: {  	v61 =	vld [tilespmem:s12+$0x11810]  }
0x294: {  	v62 =	vld [tilespmem:s12+$0x12010]  }
0x295: {  	v63 =	vld [tilespmem:s12+$0x12810]  }
0x296: {  	v41 =	vld [tilespmem:s12+$0x13010]  }
0x297: {  	v42 =	vld [tilespmem:s12+$0xD820]  }
0x298: {  	v43 =	vld [tilespmem:s12+$0xE020]  }
0x299: {  	v44 =	vld [tilespmem:s12+$0xE820]  }
0x29a: {  	v45 =	vld [tilespmem:s12+$0xF020]  }
0x29b: {  	v46 =	vld [tilespmem:s12+$0xF820]  }
0x29c: {  	v47 =	vld [tilespmem:s12+$0x10020]  }
0x29d: {  	v48 =	vld [tilespmem:s12+$0x10820]  }
0x29e: {  	v49 =	vld [tilespmem:s12+$0x11020]  }
0x29f: {  	v50 =	vld [tilespmem:s12+$0x11820]  }
0x2a0: {  	v51 =	vld [tilespmem:s12+$0x12020]  }
0x2a1: {  	v52 =	vld [tilespmem:s12+$0x12820]  }
0x2a2: {  	v53 =	vld [tilespmem:s12+$0x13020]  }
0x2a3: {  	[tilespmem:v33+s20+$0x0] =	vst.idx.add.f32.msk $0xffff, v1  }
0x2a4: {  	[tilespmem:v33+s21+$0x0] =	vst.idx.add.f32.msk $0xffff, v28  }
0x2a5: {  	v28 =	vld [tilespmem:s12+$0x1010]  }
0x2a6: {  	[tilespmem:v33+s22+$0x0] =	vst.idx.add.f32.msk $0xffff, v29  }
0x2a7: {  	v29 =	vld [tilespmem:s12+$0x1020]  }
0x2a8: {  	[tilespmem:v33+s23+$0x0] =	vst.idx.add.f32.msk $0xffff, v30  }
0x2a9: {  	v30 =	vld [tilespmem:s12+$0xD810]  }
0x2aa: {  	[tilespmem:v33+s24+$0x0] =	vst.idx.add.f32.msk $0xffff, v31  }
0x2ab: {  	v31 =	vld [tilespmem:s12+$0xE010]  }
0x2ac: {  	[tilespmem:v33+s25+$0x0] =	vst.idx.add.f32.msk $0xffff, v32  }
0x2ad: {  	v32 =	vld [tilespmem:s12+$0xE810]  }
0x2ae: {  	[tilespmem:v15+s20+$0x0] =	vst.idx.add.f32.msk $0xffff, v1  }
0x2af: {  	[tilespmem:v33+s26+$0x0] =	vst.idx.add.f32.msk $0xffff, v34  }
0x2b0: {  	[tilespmem:v15+s21+$0x0] =	vst.idx.add.f32.msk $0xffff, v17  }
0x2b1: {  	[tilespmem:v33+s28+$0x0] =	vst.idx.add.f32.msk $0xffff, v35  }
0x2b2: {  	[tilespmem:v15+s22+$0x0] =	vst.idx.add.f32.msk $0xffff, v18  }
0x2b3: {  	[tilespmem:v33+s29+$0x0] =	vst.idx.add.f32.msk $0xffff, v36  }
0x2b4: {  	[tilespmem:v15+s23+$0x0] =	vst.idx.add.f32.msk $0xffff, v19  }
0x2b5: {  	[tilespmem:v33+s30+$0x0] =	vst.idx.add.f32.msk $0xffff, v37  }
0x2b6: {  	[tilespmem:v28+s20+$0x0] =	vst.idx.add.f32.msk $0xffff, v1  }
0x2b7: {  	[tilespmem:v15+s24+$0x0] =	vst.idx.add.f32.msk $0xffff, v20  }
0x2b8: {  	[tilespmem:v33+s31+$0x0] =	vst.idx.add.f32.msk $0xffff, v38  }
0x2b9: {  	[tilespmem:v28+s21+$0x0] =	vst.idx.add.f32.msk $0xffff, v30  }
0x2ba: {  	[tilespmem:v29+s20+$0x0] =	vst.idx.add.f32.msk $0xffff, v1  }
0x2bb: {  	[tilespmem:v15+s25+$0x0] =	vst.idx.add.f32.msk $0xffff, v21  }
0x2bc: {  	[tilespmem:v33+s1+$0x0] =	vst.idx.add.f32.msk $0xffff, v39  }
0x2bd: {  	[tilespmem:v28+s22+$0x0] =	vst.idx.add.f32.msk $0xffff, v31  }
0x2be: {  	[tilespmem:v29+s21+$0x0] =	vst.idx.add.f32.msk $0xffff, v42  }
0x2bf: {  	[tilespmem:v15+s26+$0x0] =	vst.idx.add.f32.msk $0xffff, v22  }
0x2c0: {  	[tilespmem:v33+s0+$0x0] =	vst.idx.add.f32.msk $0xffff, v40  }
0x2c1: {  	[tilespmem:v28+s23+$0x0] =	vst.idx.add.f32.msk $0xffff, v32  }
0x2c2: {  	[tilespmem:v29+s22+$0x0] =	vst.idx.add.f32.msk $0xffff, v43  }
0x2c3: {  	[tilespmem:v15+s28+$0x0] =	vst.idx.add.f32.msk $0xffff, v23  }
0x2c4: {  	[tilespmem:v28+s24+$0x0] =	vst.idx.add.f32.msk $0xffff, v56  }
0x2c5: {  	[tilespmem:v29+s23+$0x0] =	vst.idx.add.f32.msk $0xffff, v44  }
0x2c6: {  	[tilespmem:v15+s29+$0x0] =	vst.idx.add.f32.msk $0xffff, v24  }
0x2c7: {  	[tilespmem:v28+s25+$0x0] =	vst.idx.add.f32.msk $0xffff, v57  }
0x2c8: {  	[tilespmem:v29+s24+$0x0] =	vst.idx.add.f32.msk $0xffff, v45  }
0x2c9: {  	[tilespmem:v15+s30+$0x0] =	vst.idx.add.f32.msk $0xffff, v25  }
0x2ca: {  	[tilespmem:v28+s26+$0x0] =	vst.idx.add.f32.msk $0xffff, v58  }
0x2cb: {  	[tilespmem:v29+s25+$0x0] =	vst.idx.add.f32.msk $0xffff, v46  }
0x2cc: {  	[tilespmem:v15+s31+$0x0] =	vst.idx.add.f32.msk $0xffff, v26  }
0x2cd: {  	[tilespmem:v28+s28+$0x0] =	vst.idx.add.f32.msk $0xffff, v59  }
0x2ce: {  	[tilespmem:v29+s26+$0x0] =	vst.idx.add.f32.msk $0xffff, v47  }
0x2cf: {  	[tilespmem:v15+s1+$0x0] =	vst.idx.add.f32.msk $0xffff, v27  }
0x2d0: {  	[tilespmem:v28+s29+$0x0] =	vst.idx.add.f32.msk $0xffff, v60  }
0x2d1: {  	[tilespmem:v29+s28+$0x0] =	vst.idx.add.f32.msk $0xffff, v48  }
0x2d2: {  	[tilespmem:v28+s30+$0x0] =	vst.idx.add.f32.msk $0xffff, v61  }
0x2d3: {  	[tilespmem:v29+s29+$0x0] =	vst.idx.add.f32.msk $0xffff, v49  }
0x2d4: {  	[tilespmem:v28+s31+$0x0] =	vst.idx.add.f32.msk $0xffff, v62  }
0x2d5: {  	[tilespmem:v29+s30+$0x0] =	vst.idx.add.f32.msk $0xffff, v50  }
0x2d6: {  	[tilespmem:v28+s1+$0x0] =	vst.idx.add.f32.msk $0xffff, v63  }
0x2d7: {  	[tilespmem:v29+s31+$0x0] =	vst.idx.add.f32.msk $0xffff, v51  }
0x2d8: {  	[tilespmem:v28+s0+$0x0] =	vst.idx.add.f32.msk $0xffff, v41  }
0x2d9: {  	[tilespmem:v29+s1+$0x0] =	vst.idx.add.f32.msk $0xffff, v52  }
0x2da: {  	s7 =	simm.s32 $0x0;
	s8 =	simm.s32 $0x0;
	s2 =	simm.s32 $0x100;
	[tilespmem:v29+s0+$0x0] =	vst.idx.add.f32.msk $0xffff, v53  }
.LBB2_13:
0x2db: {  	s9 =	sshra.s32 s2, $0x2;
	[tilespmem:v15+s0+$0x0] =	vst.idx.add.f32.msk $0xffff, v16;
	v15 =	vmovc v2;
	v27 =	vmovc v3;
	v26 =	vmov v4;
	v24 =	vmov v6;
	v22 =	vmov v8  }
0x2dc: {  	v25 =	vmovc v5;
	v23 =	vmovc v7;
	v21 =	vmov v10;
	v19 =	vmov v13;
	v17 =	vmov v14;
	v2 =	vld [tilespmem:s9+$0x1040]  }
0x2dd: {  	v20 =	vmov v12;
	v18 =	vmov v11;
	v16 =	vmov v9;
	v3 =	vld [tilespmem:s9+$0xD840]  }
0x2de: {  	v4 =	vld [tilespmem:s9+$0xE040]  }
0x2df: {  	v6 =	vld [tilespmem:s9+$0xE840]  }
0x2e0: {  	v8 =	vld [tilespmem:s9+$0xF040]  }
0x2e1: {  	v5 =	vld [tilespmem:s9+$0xF840]  }
0x2e2: {  	v7 =	vld [tilespmem:s9+$0x10040]  }
0x2e3: {  	v10 =	vld [tilespmem:s9+$0x10840]  }
0x2e4: {  	v13 =	vld [tilespmem:s9+$0x11040]  }
0x2e5: {  	v14 =	vld [tilespmem:s9+$0x11840]  }
0x2e6: {  	v12 =	vld [tilespmem:s9+$0x12040]  }
0x2e7: {  	v11 =	vld [tilespmem:s9+$0x12840]  }
0x2e8: {  	v9 =	vld [tilespmem:s9+$0x13040]  }
0x2e9: {  	v28 =	vld [tilespmem:s9+$0xD830]  }
0x2ea: {  	v29 =	vld [tilespmem:s9+$0xE030]  }
0x2eb: {  	v30 =	vld [tilespmem:s9+$0xE830]  }
0x2ec: {  	v31 =	vld [tilespmem:s9+$0xF030]  }
0x2ed: {  	v32 =	vld [tilespmem:s9+$0xF830]  }
0x2ee: {  	v33 =	vld [tilespmem:s9+$0x1030]  }
0x2ef: {  	v34 =	vld [tilespmem:s9+$0x10030]  }
0x2f0: {  	v35 =	vld [tilespmem:s9+$0x10830]  }
0x2f1: {  	v36 =	vld [tilespmem:s9+$0x11030]  }
0x2f2: {  	v37 =	vld [tilespmem:s9+$0x11830]  }
0x2f3: {  	v38 =	vld [tilespmem:s9+$0x12030]  }
0x2f4: {  	v39 =	vld [tilespmem:s9+$0x12830]  }
0x2f5: {  	v40 =	vld [tilespmem:s9+$0x13030]  }
0x2f6: {  	[tilespmem:v33+s20+$0x0] =	vst.idx.add.f32.msk $0xffff, v1  }
0x2f7: {  	[tilespmem:v33+s21+$0x0] =	vst.idx.add.f32.msk $0xffff, v28  }
0x2f8: {  	[tilespmem:v33+s22+$0x0] =	vst.idx.add.f32.msk $0xffff, v29  }
0x2f9: {  	s8 =	sadd.s32 $0x4, s8;
	[tilespmem:v33+s23+$0x0] =	vst.idx.add.f32.msk $0xffff, v30  }
0x2fa: {  	p0 =	slt.u32 s8, $0x78;
	[tilespmem:v33+s24+$0x0] =	vst.idx.add.f32.msk $0xffff, v31  }
0x2fb: {  	[tilespmem:v33+s25+$0x0] =	vst.idx.add.f32.msk $0xffff, v32  }
0x2fc: {  	[tilespmem:v33+s26+$0x0] =	vst.idx.add.f32.msk $0xffff, v34  }
0x2fd: {  	[tilespmem:v33+s28+$0x0] =	vst.idx.add.f32.msk $0xffff, v35  }
0x2fe: {  	[tilespmem:v33+s29+$0x0] =	vst.idx.add.f32.msk $0xffff, v36  }
0x2ff: {  	[tilespmem:v33+s30+$0x0] =	vst.idx.add.f32.msk $0xffff, v37  }
0x300: {  	[tilespmem:v33+s31+$0x0] =	vst.idx.add.f32.msk $0xffff, v38  }
0x301: {  	[tilespmem:v33+s1+$0x0] =	vst.idx.add.f32.msk $0xffff, v39  }
0x302: {  	[tilespmem:v33+s0+$0x0] =	vst.idx.add.f32.msk $0xffff, v40  }
0x303: {  	v28 =	vld [tilespmem:s9+$0x1010]  }
0x304: {  	v29 =	vld [tilespmem:s9+$0x1020]  }
0x305: {  	v30 =	vld [tilespmem:s9+$0xD810]  }
0x306: {  	v31 =	vld [tilespmem:s9+$0xE010]  }
0x307: {  	v32 =	vld [tilespmem:s9+$0xE810]  }
0x308: {  	v33 =	vld [tilespmem:s9+$0xF010]  }
0x309: {  	v34 =	vld [tilespmem:s9+$0xF810]  }
0x30a: {  	v35 =	vld [tilespmem:s9+$0x10010]  }
0x30b: {  	v36 =	vld [tilespmem:s9+$0x10810]  }
0x30c: {  	v37 =	vld [tilespmem:s9+$0x11010]  }
0x30d: {  	v38 =	vld [tilespmem:s9+$0x11810]  }
0x30e: {  	v39 =	vld [tilespmem:s9+$0x12010]  }
0x30f: {  	v40 =	vld [tilespmem:s9+$0x12810]  }
0x310: {  	v41 =	vld [tilespmem:s9+$0x13010]  }
0x311: {  	v42 =	vld [tilespmem:s9+$0xD820]  }
0x312: {  	v43 =	vld [tilespmem:s9+$0xE020]  }
0x313: {  	v44 =	vld [tilespmem:s9+$0xE820]  }
0x314: {  	v45 =	vld [tilespmem:s9+$0xF020]  }
0x315: {  	v46 =	vld [tilespmem:s9+$0xF820]  }
0x316: {  	v47 =	vld [tilespmem:s9+$0x10020]  }
0x317: {  	v48 =	vld [tilespmem:s9+$0x10820]  }
0x318: {  	v49 =	vld [tilespmem:s9+$0x11020]  }
0x319: {  	v50 =	vld [tilespmem:s9+$0x11820]  }
0x31a: {  	v51 =	vld [tilespmem:s9+$0x12020]  }
0x31b: {  	v52 =	vld [tilespmem:s9+$0x12820]  }
0x31c: {  	v53 =	vld [tilespmem:s9+$0x13020]  }
0x31d: {  	[tilespmem:v28+s20+$0x0] =	vst.idx.add.f32.msk $0xffff, v1  }
0x31e: {  	[tilespmem:v28+s21+$0x0] =	vst.idx.add.f32.msk $0xffff, v30  }
0x31f: {  	[tilespmem:v28+s22+$0x0] =	vst.idx.add.f32.msk $0xffff, v31  }
0x320: {  	[tilespmem:v28+s23+$0x0] =	vst.idx.add.f32.msk $0xffff, v32  }
0x321: {  	[tilespmem:v28+s24+$0x0] =	vst.idx.add.f32.msk $0xffff, v33  }
0x322: {  	[tilespmem:v28+s25+$0x0] =	vst.idx.add.f32.msk $0xffff, v34  }
0x323: {  	[tilespmem:v28+s26+$0x0] =	vst.idx.add.f32.msk $0xffff, v35  }
0x324: {  	[tilespmem:v28+s28+$0x0] =	vst.idx.add.f32.msk $0xffff, v36  }
0x325: {  	[tilespmem:v28+s29+$0x0] =	vst.idx.add.f32.msk $0xffff, v37  }
0x326: {  	[tilespmem:v28+s30+$0x0] =	vst.idx.add.f32.msk $0xffff, v38  }
0x327: {  	[tilespmem:v28+s31+$0x0] =	vst.idx.add.f32.msk $0xffff, v39  }
0x328: {  	[tilespmem:v28+s1+$0x0] =	vst.idx.add.f32.msk $0xffff, v40  }
0x329: {  	[tilespmem:v28+s0+$0x0] =	vst.idx.add.f32.msk $0xffff, v41  }
0x32a: {  	[tilespmem:v29+s20+$0x0] =	vst.idx.add.f32.msk $0xffff, v1  }
0x32b: {  	[tilespmem:v29+s21+$0x0] =	vst.idx.add.f32.msk $0xffff, v42  }
0x32c: {  	[tilespmem:v29+s22+$0x0] =	vst.idx.add.f32.msk $0xffff, v43  }
0x32d: {  	[tilespmem:v29+s23+$0x0] =	vst.idx.add.f32.msk $0xffff, v44  }
0x32e: {  	[tilespmem:v29+s24+$0x0] =	vst.idx.add.f32.msk $0xffff, v45  }
0x32f: {  	[tilespmem:v29+s25+$0x0] =	vst.idx.add.f32.msk $0xffff, v46  }
0x330: {  	[tilespmem:v29+s26+$0x0] =	vst.idx.add.f32.msk $0xffff, v47  }
0x331: {  	[tilespmem:v29+s28+$0x0] =	vst.idx.add.f32.msk $0xffff, v48  }
0x332: {  	[tilespmem:v29+s29+$0x0] =	vst.idx.add.f32.msk $0xffff, v49  }
0x333: {  	[tilespmem:v29+s30+$0x0] =	vst.idx.add.f32.msk $0xffff, v50  }
0x334: {  	[tilespmem:v29+s31+$0x0] =	vst.idx.add.f32.msk $0xffff, v51  }
0x335: {  	[tilespmem:v29+s1+$0x0] =	vst.idx.add.f32.msk $0xffff, v52  }
0x336: {  	[tilespmem:v29+s0+$0x0] =	vst.idx.add.f32.msk $0xffff, v53  }
0x337: {  	[tilespmem:v15+s20+$0x0] =	vst.idx.add.f32.msk $0xffff, v1  }
0x338: {  	[tilespmem:v15+s21+$0x0] =	vst.idx.add.f32.msk $0xffff, v27  }
0x339: {  	[tilespmem:v15+s22+$0x0] =	vst.idx.add.f32.msk $0xffff, v26  }
0x33a: {  	[tilespmem:v15+s23+$0x0] =	vst.idx.add.f32.msk $0xffff, v24  }
0x33b: {  	[tilespmem:v15+s24+$0x0] =	vst.idx.add.f32.msk $0xffff, v22  }
0x33c: {  	[tilespmem:v15+s25+$0x0] =	vst.idx.add.f32.msk $0xffff, v25  }
0x33d: {  	[tilespmem:v15+s26+$0x0] =	vst.idx.add.f32.msk $0xffff, v23  }
.Ltmp5:
0x33e: {  	[tilespmem:v15+s28+$0x0] =	vst.idx.add.f32.msk $0xffff, v21;
	(pc) =	sbr.rel @p0 .LBB2_13-.Ltmp5, $4  }
0x33f: {  	[tilespmem:v15+s29+$0x0] =	vst.idx.add.f32.msk $0xffff, v19  }
0x340: {  	[tilespmem:v15+s30+$0x0] =	vst.idx.add.f32.msk $0xffff, v17  }
0x341: {  	[tilespmem:v15+s31+$0x0] =	vst.idx.add.f32.msk $0xffff, v20  }
0x342: {  	s2 =	sadd.s32 $0x100, s2;
	[tilespmem:v15+s1+$0x0] =	vst.idx.add.f32.msk $0xffff, v18  }
0x343: {  	_ =	sdelay $0x3  }
0x344: {  	[tilespmem:v15+s0+$0x0] =	vst.idx.add.f32.msk $0xffff, v16  }
.LBB2_15:
0x345: {  	s2 =	sshra.s32 s7, $0x2  }
0x346: {  	v15 =	vmov v2;
	v2 =	vld [tilespmem:s2+$0x17D0]  }
0x347: {  	v16 =	vmov v3;
	v3 =	vld [tilespmem:s2+$0xDFD0]  }
0x348: {  	v17 =	vmov v4;
	v4 =	vld [tilespmem:s2+$0xE7D0]  }
0x349: {  	v18 =	vmov v6;
	v6 =	vld [tilespmem:s2+$0xEFD0]  }
0x34a: {  	v19 =	vmov v8;
	v8 =	vld [tilespmem:s2+$0xF7D0]  }
0x34b: {  	v20 =	vmov v5;
	v5 =	vld [tilespmem:s2+$0xFFD0]  }
0x34c: {  	v21 =	vmov v7;
	v7 =	vld [tilespmem:s2+$0x107D0]  }
0x34d: {  	v22 =	vmov v10;
	v10 =	vld [tilespmem:s2+$0x10FD0]  }
0x34e: {  	v23 =	vmov v13;
	v13 =	vld [tilespmem:s2+$0x117D0]  }
0x34f: {  	v24 =	vmov v14;
	v14 =	vld [tilespmem:s2+$0x11FD0]  }
0x350: {  	v25 =	vmov v12;
	v12 =	vld [tilespmem:s2+$0x127D0]  }
0x351: {  	v26 =	vmov v11;
	v11 =	vld [tilespmem:s2+$0x12FD0]  }
0x352: {  	v27 =	vmov v9;
	v9 =	vld [tilespmem:s2+$0x137D0]  }
0x353: {  	[tilespmem:v15+s20+$0x0] =	vst.idx.add.f32.msk $0xffff, v1  }
0x354: {  	[tilespmem:v15+s21+$0x0] =	vst.idx.add.f32.msk $0xffff, v16  }
0x355: {  	[tilespmem:v15+s22+$0x0] =	vst.idx.add.f32.msk $0xffff, v17  }
0x356: {  	[tilespmem:v15+s23+$0x0] =	vst.idx.add.f32.msk $0xffff, v18  }
0x357: {  	[tilespmem:v15+s24+$0x0] =	vst.idx.add.f32.msk $0xffff, v19  }
0x358: {  	[tilespmem:v15+s25+$0x0] =	vst.idx.add.f32.msk $0xffff, v20  }
0x359: {  	[tilespmem:v15+s26+$0x0] =	vst.idx.add.f32.msk $0xffff, v21  }
0x35a: {  	p0 =	sne.s32 s7, $0x80;
	[tilespmem:v15+s28+$0x0] =	vst.idx.add.f32.msk $0xffff, v22  }
.Ltmp6:
0x35b: {  	[tilespmem:v15+s29+$0x0] =	vst.idx.add.f32.msk $0xffff, v23;
	(pc) =	sbr.rel @p0 .LBB2_15-.Ltmp6, $4  }
0x35c: {  	[tilespmem:v15+s30+$0x0] =	vst.idx.add.f32.msk $0xffff, v24  }
0x35d: {  	[tilespmem:v15+s31+$0x0] =	vst.idx.add.f32.msk $0xffff, v25  }
0x35e: {  	[tilespmem:v15+s1+$0x0] =	vst.idx.add.f32.msk $0xffff, v26  }
0x35f: {  	s7 =	sadd.s32 $0x40, s7;
	[tilespmem:v15+s0+$0x0] =	vst.idx.add.f32.msk $0xffff, v27  }
0x360: {  	_ =	sdelay $0x3  }
0x361: {  	[tilespmem:v2+s20+$0x0] =	vst.idx.add.f32.msk $0xffff, v1  }
0x362: {  	[tilespmem:v2+s21+$0x0] =	vst.idx.add.f32.msk $0xffff, v3  }
0x363: {  	[tilespmem:v2+s22+$0x0] =	vst.idx.add.f32.msk $0xffff, v4  }
0x364: {  	[tilespmem:v2+s23+$0x0] =	vst.idx.add.f32.msk $0xffff, v6  }
0x365: {  	[tilespmem:v2+s24+$0x0] =	vst.idx.add.f32.msk $0xffff, v8  }
0x366: {  	[tilespmem:v2+s25+$0x0] =	vst.idx.add.f32.msk $0xffff, v5  }
0x367: {  	s11 =	sadd.s32 $0x1, s11;
	[tilespmem:v2+s26+$0x0] =	vst.idx.add.f32.msk $0xffff, v7  }
0x368: {  	p0 =	sne.s32 s11, $0x18;
	[tilespmem:v2+s28+$0x0] =	vst.idx.add.f32.msk $0xffff, v10  }
.Ltmp7:
0x369: {  	[tilespmem:v2+s29+$0x0] =	vst.idx.add.f32.msk $0xffff, v13;
	(pc) =	sbr.rel @p0 .LBB2_4-.Ltmp7, $4  }
0x36a: {  	[tilespmem:v2+s30+$0x0] =	vst.idx.add.f32.msk $0xffff, v14  }
0x36b: {  	[tilespmem:v2+s31+$0x0] =	vst.idx.add.f32.msk $0xffff, v12  }
0x36c: {  	[tilespmem:v2+s1+$0x0] =	vst.idx.add.f32.msk $0xffff, v11  }
0x36d: {  	[tilespmem:v2+s0+$0x0] =	vst.idx.add.f32.msk $0xffff, v9  }
0x36e: {  	s7 =	simm.s32 $0x0  }
0x36f: {  	v2 =	vld [tilespmem:s7+$0x16800];
	_ =	sdelay $0x2  }
0x370: {  	v3 =	vld [tilespmem:s7+$0x16C00]  }
0x371: {  	v4 =	vld [tilespmem:s7+$0x17000]  }
0x372: {  	v5 =	vld [tilespmem:s7+$0x17400];
	v2 =	vmax.f32 v2, $1.000000000e+00  }
0x373: {  	v6 =	vld [tilespmem:s7+$0x17800];
	(erf) = vrcp.f32 v2  }
0x374: {  	v7 =	vld [tilespmem:s7+$0x17C00]  }
0x375: {  	v8 =	vld [tilespmem:s7+$0x18000]  }
0x376: {  	v14 =	vld [tilespmem:s7+$0x18400]  }
0x377: {  	v15 =	vld [tilespmem:s7+$0x18800]  }
0x378: {  	v2 =	vld [tilespmem:s7+$0x19800]  }
0x379: {  	s2 =	simm.s32 $0x10;
	v17 =	vld [tilespmem:s7+$0x18C00]  }
0x37a: {  	v13 =	vld [tilespmem:s2+$0x16800]  }
0x37b: {  	v10 =	vld [tilespmem:s2+$0x16C00]  }
0x37c: {  	v9 =	vld [tilespmem:s2+$0x17000];
	v20 =	vpop (erf)  }
0x37d: {  	v11 =	vld [tilespmem:s2+$0x17400];
	v16 =	vmul.f32 v2, v20  }
0x37e: {  	v12 =	vld [tilespmem:s2+$0x17800];
	v21 =	vmul.f32 v20, v3  }
0x37f: {  	v2 =	vld [tilespmem:s2+$0x17C00];
	[tilespmem:s7+$0x16400] =	vst v16;
	v16 =	vmul.f32 v4, v20  }
0x380: {  	v61 =	vmul.f32 v5, v20;
	v3 =	vld [tilespmem:s2+$0x18000];
	[tilespmem:s7+$0x13800] =	vst v21  }
0x381: {  	v4 =	vld [tilespmem:s2+$0x18400];
	[tilespmem:s7+$0x13C00] =	vst v16;
	v16 =	vmul.f32 v6, v20  }
0x382: {  	v5 =	vld [tilespmem:s2+$0x18800];
	[tilespmem:s7+$0x14000] =	vst v61  }
0x383: {  	v6 =	vld [tilespmem:s2+$0x18C00];
	[tilespmem:s7+$0x14400] =	vst v16;
	v16 =	vmax.f32 v13, $1.000000000e+00  }
0x384: {  	v18 =	vld [tilespmem:s7+$0x19000];
	(erf) = vrcp.f32 v16  }
0x385: {  	v19 =	vld [tilespmem:s7+$0x19400]  }
0x386: {  	v62 =	vmul.f32 v7, v20  }
0x387: {  	v8 =	vmul.f32 v8, v20  }
0x388: {  	v63 =	vmul.f32 v14, v20;
	v7 =	vld [tilespmem:s2+$0x19000];
	[tilespmem:s7+$0x14800] =	vst v62  }
0x389: {  	v17 =	vmul.f32 v17, v20;
	v16 =	vmul.f32 v15, v20;
	v13 =	vld [tilespmem:s2+$0x19800];
	[tilespmem:s7+$0x14C00] =	vst v8  }
0x38a: {  	s8 =	simm.s32 $0x20;
	s9 =	simm.s32 $0xC0;
	v14 =	vmul.f32 v19, v20;
	v15 =	vmul.f32 v18, v20;
	v8 =	vld [tilespmem:s2+$0x19400];
	[tilespmem:s7+$0x15000] =	vst v63  }
.LBB2_18:
0x38b: {  	p0 =	sne.s32 s9, $0xFC0;
	v18 =	vld [tilespmem:s8+$0x16800];
	[tilespmem:s7+$0x15400] =	vst v16  }
0x38c: {  	v16 =	vld [tilespmem:s8+$0x16C00];
	[tilespmem:s7+$0x15800] =	vst v17  }
0x38d: {  	v17 =	vld [tilespmem:s8+$0x17000];
	v19 =	vpop (erf);
	[tilespmem:s7+$0x15C00] =	vst v15  }
0x38e: {  	v20 =	vld [tilespmem:s8+$0x17400];
	v15 =	vmul.f32 v19, v10;
	v13 =	vmul.f32 v13, v19;
	[tilespmem:s7+$0x16000] =	vst v14;
	s7 =	smov.u32 s2;
	s2 =	smov.u32 s8  }
0x38f: {  	v24 =	vmul.f32 v9, v19;
	v11 =	vmul.f32 v11, v19;
	v21 =	vld [tilespmem:s2+$0x17800]  }
0x390: {  	v12 =	vmul.f32 v12, v19;
	v14 =	vmax.f32 v18, $1.000000000e+00;
	v18 =	vmul.f32 v2, v19;
	v2 =	vld [tilespmem:s2+$0x17C00];
	[tilespmem:s7+$0x16400] =	vst v13  }
0x391: {  	v22 =	vmul.f32 v3, v19;
	(erf) = vrcp.f32 v14;
	[tilespmem:s7+$0x13800] =	vst v15;
	v3 =	vld [tilespmem:s2+$0x18000];
	v10 =	vmov v16  }
0x392: {  	v23 =	vmul.f32 v4, v19;
	v16 =	vmul.f32 v5, v19;
	[tilespmem:s7+$0x13C00] =	vst v24;
	v4 =	vld [tilespmem:s2+$0x18400];
	v9 =	vmov v17  }
.Ltmp8:
0x393: {  	v15 =	vmul.f32 v7, v19;
	v17 =	vmul.f32 v6, v19;
	v5 =	vld [tilespmem:s2+$0x18800];
	[tilespmem:s7+$0x14000] =	vst v11;
	v11 =	vmov v20;
	(pc) =	sbr.rel @p0 .LBB2_18-.Ltmp8, $4  }
0x394: {  	v14 =	vmul.f32 v8, v19;
	v6 =	vld [tilespmem:s2+$0x18C00];
	[tilespmem:s7+$0x14400] =	vst v12;
	v12 =	vmov v21  }
0x395: {  	v7 =	vld [tilespmem:s2+$0x19000];
	[tilespmem:s7+$0x14800] =	vst v18  }
0x396: {  	v13 =	vld [tilespmem:s2+$0x19800];
	[tilespmem:s7+$0x14C00] =	vst v22  }
0x397: {  	s8 =	sshra.s32 s9, $0x2;
	s9 =	sadd.s32 $0x40, s9;
	v8 =	vld [tilespmem:s2+$0x19400];
	[tilespmem:s7+$0x15000] =	vst v23  }
0x398: {  	v18 =	vld [tilespmem:s8+$0x16800];
	[tilespmem:s7+$0x15400] =	vst v16  }
0x399: {  	v16 =	vld [tilespmem:s8+$0x16C00];
	[tilespmem:s7+$0x15800] =	vst v17  }
0x39a: {  	v17 =	vld [tilespmem:s8+$0x17000];
	[tilespmem:s7+$0x15C00] =	vst v15;
	v19 =	vpop (erf)  }
0x39b: {  	v15 =	vld [tilespmem:s8+$0x17400];
	[tilespmem:s7+$0x16000] =	vst v14;
	v13 =	vmul.f32 v13, v19  }
0x39c: {  	v10 =	vmul.f32 v19, v10;
	v14 =	vld [tilespmem:s8+$0x17800]  }
0x39d: {  	v9 =	vmul.f32 v9, v19;
	v20 =	vld [tilespmem:s8+$0x17C00];
	[tilespmem:s2+$0x16400] =	vst v13;
	v18 =	vmax.f32 v18, $1.000000000e+00  }
0x39e: {  	v11 =	vmul.f32 v11, v19;
	v13 =	vld [tilespmem:s8+$0x18000];
	[tilespmem:s2+$0x13800] =	vst v10;
	(erf) = vrcp.f32 v18  }
0x39f: {  	v12 =	vmul.f32 v12, v19;
	v10 =	vld [tilespmem:s8+$0x18400];
	[tilespmem:s2+$0x13C00] =	vst v9  }
0x3a0: {  	v2 =	vmul.f32 v2, v19;
	v9 =	vld [tilespmem:s8+$0x18800];
	[tilespmem:s2+$0x14000] =	vst v11  }
0x3a1: {  	v11 =	vld [tilespmem:s8+$0x18C00];
	[tilespmem:s2+$0x14400] =	vst v12  }
0x3a2: {  	v3 =	vmul.f32 v3, v19;
	v12 =	vld [tilespmem:s8+$0x19000];
	[tilespmem:s2+$0x14800] =	vst v2  }
0x3a3: {  	v4 =	vmul.f32 v4, v19;
	v2 =	vld [tilespmem:s8+$0x19800]  }
0x3a4: {  	v6 =	vmul.f32 v6, v19;
	[tilespmem:s2+$0x14C00] =	vst v3  }
0x3a5: {  	v3 =	vmul.f32 v5, v19;
	v57 =	vld [tilespmem:s8+$0x19400];
	[tilespmem:s2+$0x15000] =	vst v4  }
0x3a6: {  	v58 =	vmul.f32 v7, v19;
	[tilespmem:s2+$0x15800] =	vst v6  }
0x3a7: {  	[tilespmem:s2+$0x15400] =	vst v3;
	v3 =	vmul.f32 v8, v19;
	v59 =	vpop (erf)  }
0x3a8: {  	[tilespmem:s2+$0x15C00] =	vst v58;
	v2 =	vmul.f32 v2, v59  }
0x3a9: {  	[tilespmem:s2+$0x16000] =	vst v3;
	v60 =	vmul.f32 v59, v16  }
0x3aa: {  	v3 =	vmul.f32 v17, v59;
	[tilespmem:s8+$0x16400] =	vst v2  }
0x3ab: {  	v61 =	vmul.f32 v14, v59;
	[tilespmem:s8+$0x13800] =	vst v60  }
0x3ac: {  	v62 =	vmul.f32 v10, v59;
	[tilespmem:s8+$0x13C00] =	vst v3  }
0x3ad: {  	v63 =	vmul.f32 v12, v59;
	[tilespmem:s8+$0x14400] =	vst v61  }
0x3ae: {  	v2 =	vmul.f32 v15, v59;
	[tilespmem:s8+$0x15000] =	vst v62  }
0x3af: {  	v3 =	vmul.f32 v20, v59;
	[tilespmem:s8+$0x15C00] =	vst v63  }
0x3b0: {  	[tilespmem:s8+$0x14000] =	vst v2;
	v2 =	vmul.f32 v13, v59  }
0x3b1: {  	[tilespmem:s8+$0x14800] =	vst v3;
	v3 =	vmul.f32 v9, v59  }
0x3b2: {  	[tilespmem:s8+$0x14C00] =	vst v2;
	v2 =	vmul.f32 v11, v59  }
0x3b3: {  	[tilespmem:s8+$0x15400] =	vst v3;
	v3 =	vmul.f32 v57, v59  }
0x3b4: {  	[tilespmem:s8+$0x15800] =	vst v2  }
0x3b5: {  	s9 =	simm.s32 $0x0;
	s11 =	rddreg [dreg:$0x6];
	s12 =	simm.s32 $0x13800;
	[tilespmem:s8+$0x16000] =	vst v3  }
0x3b6: {  	[hbm4b:s11+s9] =	stream.linear.scatter [tilespmem:s12], [sflag:$0x4], $0x3000, $0x38;
	[tilespmem:$0x19C00] =	vst v63  }
0x3b7: {  	s9 =	simm.s32 $0x4  }
0x3b8: {  	_ =	swait.ge [sflag:s9], $0x3000  }
0x3b9: {  	s11 =	rddreg [dreg:$0x8]  }
0x3ba: {  	s12 =	rddreg [dreg:$0x7];
	s8 =	sadd.s32 $0x1, s11  }
0x3bb: {  	p0 =	sne.s32 s8, s12  }
.Ltmp9:
0x3bc: {  	_ = 	snop;
	(pc) =	sbr.rel @p0 .LBB2_1-.Ltmp9, $3  }
0x3bd: {  	_ =	sdelay $0x1  }
0x3be: {  	[sflag:s9] =	ssyncset.done $0x0  }
0x3bf: {  	[sflag:s9] =	ssyncadd.s32 $0xFFFFD000  }
0x3c0: {  	_ =	sfence.sel $0x180000  }
0x3c1: {  	[bflag:$0x0] =	sbarrier.arrive $0xFFFF  }
0x3c2: {  	_ =	strace $0x90000047  }
0x3c3: {  	s0 =	stileid.u32;
	[bflag:$0x2] =	sbarrier.arrive $0xFFFF  }
0x3c4: {  	p0 =	sne.s32 s0, $0x0;
	s0 =	rddreg [dreg:$0x1]  }
0x3c5: {  	s0 =	sadd.s32 @!p0 $0x100000, s0  }
0x3c6: {  	[sflag:s0] =	ssyncadd.tile.s32 @!p0 $0x1;
	_ =	shalt  }
.Lfunc_end2:
_tile_overlayer_lowered:
.L_overlay_start_2:
0x3c7: {  	(tag) =	ssettag $0x2  }
0x3c8: {  	s0 =	rddreg [dreg:$0x0];
	s2 =	stileid.u32  }
0x3c9: {  	s1 =	rddreg [dreg:$0x1];
	p0 =	sne.s32 s2, $0x0  }
0x3ca: {  	s3 =	rddreg [dreg:$0x2];
	[bflag:$0x3] =	sbarrier.arrive $0xFFFF;
	s2 =	simm.s32 @!p0 $0x1C04  }
0x3cb: {  	[timem:s3], [sflag:s2] =	dma.local @!p0 [hbm:s0], s1  }
0x3cc: {  	s0 =	simm.s32 @!p0 $0x4  }
0x3cd: {  	_ =	swait.ge @!p0 [sflag:s0], s1  }
0x3ce: {  	s1 =	ssub.s32 @!p0 $0x0, s1;
	[sflag:s0] =	ssyncset.done @!p0 $0x0  }
0x3cf: {  	[sflag:s0] =	ssyncadd.s32 @!p0 s1  }
0x3d0: {  	[bflag:$0x3] =	sbarrier.arrive $0xFFFF  }
0x3d1: {  	_ =	shalt  }

</sc_bundles>
